<compile_context>
chip_gen: v7x
topology: tpu7x:2x2x1
jax: 0.10.2.dev20260603
libtpu: 0.0.44.dev20260713+nightly
codegen_flags: <defaults>
</compile_context>

<pallas_src>
import functools

import jax
import jax.numpy as jnp
from jax import lax
from jax.experimental import pallas as pl
from jax.experimental.pallas import tpu as pltpu
from jax.experimental.pallas import tpu_sc as plsc

N = 10000
NP = 10240
E = 320000
D = 128
H = 32
HH = H * H
LANES = 128
KC = E // LANES
NW = 32
KW = KC // NW
XW = KC - NW * KW
NSUB = 16
RPT = NP // NSUB
TPT = N // NSUB
DEGW = 8
BR = 1000
GRID = N // BR

f32 = jnp.float32
i32 = jnp.int32

_MESH = plsc.VectorSubcoreMesh(core_axis_name="c", subcore_axis_name="s")
_SC_PARAMS = pltpu.CompilerParams(use_tc_tiling_on_sc=False)



def _sc_deg_body(col_hbm, ones_hbm, z_hbm, out_hbm, acc, colv, ones_v):
    c = lax.axis_index("c")
    s = lax.axis_index("s")
    w = c * NSUB + s
    tb = s * RPT
    pltpu.sync_copy(col_hbm.at[pl.ds(w * KW, KW)], colv.at[pl.ds(0, KW)])
    pltpu.sync_copy(ones_hbm, ones_v)
    pltpu.sync_copy(z_hbm, acc.at[pl.ds(tb, RPT)])

    @pl.when(w < XW)
    def _():
        pltpu.sync_copy(col_hbm.at[pl.ds(NW * KW + w, 1)],
                        colv.at[pl.ds(KW, 1)])

    plsc.subcore_barrier()

    def step(k, carry):
        pltpu.sync_copy(ones_v, acc.at[colv.at[k]], add=True)
        return carry

    lax.fori_loop(0, KW, step, 0)

    @pl.when(w < XW)
    def _():
        pltpu.sync_copy(ones_v, acc.at[colv.at[KW]], add=True)

    plsc.subcore_barrier()
    pltpu.sync_copy(acc.at[pl.ds(tb, RPT)], out_hbm.at[c, pl.ds(tb, RPT)])


_sc_deg = functools.partial(
    pl.kernel,
    out_type=jax.ShapeDtypeStruct((2, NP, DEGW), f32),
    mesh=_MESH,
    scratch_types=[
        pltpu.VMEM_SHARED((NP, DEGW), f32),
        pltpu.VMEM((KW + 1, LANES), i32),
        pltpu.VMEM((LANES, DEGW), f32),
    ],
    compiler_params=_SC_PARAMS,
)(_sc_deg_body)


def _sc_prop_body(tab_hbm, row_hbm, col_hbm, z_hbm, out_hbm,
                  acc, tab_sh, rowv, colv, buf0, buf1,
                  sg0, sg1, sg2, sg3):
    c = lax.axis_index("c")
    s = lax.axis_index("s")
    w = c * NSUB + s
    tb = s * RPT
    h1 = pltpu.async_copy(row_hbm.at[pl.ds(w * KW, KW)],
                          rowv.at[pl.ds(0, KW)], sg0)
    h2 = pltpu.async_copy(col_hbm.at[pl.ds(w * KW, KW)],
                          colv.at[pl.ds(0, KW)], sg1)
    h3 = pltpu.async_copy(z_hbm, acc.at[pl.ds(tb, RPT)], sg2)
    h4 = pltpu.async_copy(tab_hbm.at[pl.ds(s * TPT, TPT)],
                          tab_sh.at[pl.ds(s * TPT, TPT)], sg3)
    h1.wait()
    h2.wait()
    h3.wait()
    h4.wait()

    @pl.when(w < XW)
    def _():
        pltpu.sync_copy(row_hbm.at[pl.ds(NW * KW + w, 1)],
                        rowv.at[pl.ds(KW, 1)])
        pltpu.sync_copy(col_hbm.at[pl.ds(NW * KW + w, 1)],
                        colv.at[pl.ds(KW, 1)])

    plsc.subcore_barrier()

    pltpu.async_copy(tab_sh.at[rowv.at[0]], buf0, sg0)

    def pair(k, carry):
        j0 = 2 * k
        j1 = j0 + 1
        pltpu.async_copy(tab_sh.at[rowv.at[j1]], buf1, sg1)
        pltpu.make_async_copy(tab_sh.at[rowv.at[j0]], buf0, sg0).wait()
        pltpu.sync_copy(buf0, acc.at[colv.at[j0]], add=True)

        @pl.when(j1 + 1 < KW)
        def _():
            pltpu.async_copy(tab_sh.at[rowv.at[j1 + 1]], buf0, sg0)

        pltpu.make_async_copy(tab_sh.at[rowv.at[j1]], buf1, sg1).wait()
        pltpu.sync_copy(buf1, acc.at[colv.at[j1]], add=True)
        return carry

    lax.fori_loop(0, KW // 2, pair, 0)

    @pl.when(w < XW)
    def _():
        pltpu.sync_copy(tab_sh.at[rowv.at[KW]], buf0)
        pltpu.sync_copy(buf0, acc.at[colv.at[KW]], add=True)

    plsc.subcore_barrier()
    pltpu.sync_copy(acc.at[pl.ds(tb, RPT)], out_hbm.at[c, pl.ds(tb, RPT)])


_sc_prop = functools.partial(
    pl.kernel,
    out_type=jax.ShapeDtypeStruct((2, NP, H), f32),
    mesh=_MESH,
    scratch_types=[
        pltpu.VMEM_SHARED((NP, H), f32),
        pltpu.VMEM_SHARED((N, H), f32),
        pltpu.VMEM((KW + 1, LANES), i32),
        pltpu.VMEM((KW + 1, LANES), i32),
        pltpu.VMEM((LANES, H), f32),
        pltpu.VMEM((LANES, H), f32),
        pltpu.SemaphoreType.DMA,
        pltpu.SemaphoreType.DMA,
        pltpu.SemaphoreType.DMA,
        pltpu.SemaphoreType.DMA,
    ],
    compiler_params=_SC_PARAMS,
)(_sc_prop_body)



def _dis_from(degp_ref):
    deg = degp_ref[0, :, 0:1] + degp_ref[1, :, 0:1] + 1.0
    return lax.rsqrt(deg)


def _dot(a, b):
    return jnp.dot(a, b, preferred_element_type=f32,
                   precision=lax.Precision.DEFAULT)


def _tc_mm_body(x_ref, w0_ref, o_ref):
    o_ref[...] = _dot(x_ref[...], w0_ref[...])


def _tc_scale_body(mm_ref, degp_ref, o_ref):
    o_ref[...] = mm_ref[...] * _dis_from(degp_ref)


def _tc2_body(s_ref, hp_ref, degp_ref, bg_ref, w1_ref, b1_ref, w2_ref,
              b2_ref, wg_ref, o_ref):
    dis = _dis_from(degp_ref)
    g = (s_ref[0] + s_ref[1] + hp_ref[...]) * dis + bg_ref[...]
    z = jnp.maximum(_dot(g, w1_ref[...]) + b1_ref[...], 0.0)
    hr = jnp.maximum(_dot(z, w2_ref[...]) + b2_ref[...], 0.0)
    o_ref[...] = _dot(hr, wg_ref[...]) * dis


def _tc3_body(s_ref, hp_ref, degp_ref, bg_ref, w1_ref, b1_ref, w2_ref,
              b2_ref, o_ref):
    dis = _dis_from(degp_ref)
    g = (s_ref[0] + s_ref[1] + hp_ref[...]) * dis + bg_ref[...]
    z = jnp.maximum(_dot(g, w1_ref[...]) + b1_ref[...], 0.0)
    o_ref[...] = _dot(z, w2_ref[...]) + b2_ref[...]


def _full(shape):
    return pl.BlockSpec(shape, lambda i: tuple(0 for _ in shape))


def _tc_mm(x, W0):
    return pl.pallas_call(
        _tc_mm_body,
        grid=(GRID,),
        in_specs=[
            pl.BlockSpec((BR, D), lambda i: (i, 0)),
            _full((D, H)),
        ],
        out_specs=pl.BlockSpec((BR, H), lambda i: (i, 0)),
        out_shape=jax.ShapeDtypeStruct((N, H), f32),
    )(x, W0)


def _tc_scale(mm, degp):
    return pl.pallas_call(
        _tc_scale_body,
        grid=(GRID,),
        in_specs=[
            pl.BlockSpec((BR, H), lambda i: (i, 0)),
            pl.BlockSpec((2, BR, DEGW), lambda i: (0, i, 0)),
        ],
        out_specs=pl.BlockSpec((BR, H), lambda i: (i, 0)),
        out_shape=jax.ShapeDtypeStruct((N, H), f32),
    )(mm, degp)


def _tc2(s0, h0p, degp, bg, W1, b1, W2, b2, Wg):
    return pl.pallas_call(
        _tc2_body,
        grid=(GRID,),
        in_specs=[
            pl.BlockSpec((2, BR, H), lambda i: (0, i, 0)),
            pl.BlockSpec((BR, H), lambda i: (i, 0)),
            pl.BlockSpec((2, BR, DEGW), lambda i: (0, i, 0)),
            _full((1, H)),
            _full((H, H)),
            _full((1, H)),
            _full((H, HH)),
            _full((1, HH)),
            _full((HH, H)),
        ],
        out_specs=pl.BlockSpec((BR, H), lambda i: (i, 0)),
        out_shape=jax.ShapeDtypeStruct((N, H), f32),
    )(s0, h0p, degp, bg, W1, b1, W2, b2, Wg)


def _tc3(s1, h1p, degp, bg, W1, b1, W2, b2):
    return pl.pallas_call(
        _tc3_body,
        grid=(GRID,),
        in_specs=[
            pl.BlockSpec((2, BR, H), lambda i: (0, i, 0)),
            pl.BlockSpec((BR, H), lambda i: (i, 0)),
            pl.BlockSpec((2, BR, DEGW), lambda i: (0, i, 0)),
            _full((1, H)),
            _full((H, H)),
            _full((1, H)),
            _full((H, HH)),
            _full((1, HH)),
        ],
        out_specs=pl.BlockSpec((BR, HH), lambda i: (i, 0)),
        out_shape=jax.ShapeDtypeStruct((N, HH), f32),
    )(s1, h1p, degp, bg, W1, b1, W2, b2)



def kernel(x, edge_index,
           W_gcn0, b_gcn0, W_mlp0_1, b_mlp0_1, W_mlp0_2, b_mlp0_2,
           W_gcn1, b_gcn1, W_mlp1_1, b_mlp1_1, W_mlp1_2, b_mlp1_2):
    ei = edge_index.astype(i32)
    row_p = ei[0].reshape(KC, LANES)
    col_p = ei[1].reshape(KC, LANES)
    z_deg = jnp.zeros((RPT, DEGW), f32)
    z_h = jnp.zeros((RPT, H), f32)
    ones_deg = jnp.ones((LANES, DEGW), f32)

    mm0 = _tc_mm(x, W_gcn0)
    degp = _sc_deg(col_p, ones_deg, z_deg)
    h0p = _tc_scale(mm0, degp)
    s0 = _sc_prop(h0p, row_p, col_p, z_h)
    h1p = _tc2(s0, h0p, degp, b_gcn0.reshape(1, H),
               W_mlp0_1, b_mlp0_1.reshape(1, H),
               W_mlp0_2, b_mlp0_2.reshape(1, HH), W_gcn1)
    s1 = _sc_prop(h1p, row_p, col_p, z_h)
    return _tc3(s1, h1p, degp, b_gcn1.reshape(1, H),
                W_mlp1_1, b_mlp1_1.reshape(1, H),
                W_mlp1_2, b_mlp1_2.reshape(1, HH))

# --- scband reference (transcript-rebuilt; emitter-appended) ---
"""Pipeline reference for scband-ten-gcn-78623671321103 (READ-ONLY COPY).

The authoritative reference and input builder live on the scoring server;
editing this copy changes nothing except your own understanding.
"""

import jax, jax.numpy as jnp
import numpy as np

N = 10000
E = 320000
D = 128
H = 32

def setup_inputs(seed: int = 0) -> dict:
    key = jax.random.key(seed)
    ks = jax.random.split(key, 10)
    s = lambda k, shp: (jax.random.normal(k, shp, jnp.float32) * 0.05)
    x = jax.random.normal(ks[0], (N, D), jnp.float32)
    edge_index = jax.random.randint(ks[1], (2, E), 0, N, dtype=jnp.int64)
    return {
        "x": x,
        "edge_index": edge_index,
        "W_gcn0": s(ks[2], (D, H)), "b_gcn0": jnp.zeros((H,), jnp.float32),
        "W_mlp0_1": s(ks[3], (H, H)), "b_mlp0_1": jnp.zeros((H,), jnp.float32),
        "W_mlp0_2": s(ks[4], (H, H * H)), "b_mlp0_2": jnp.zeros((H * H,), jnp.float32),
        "W_gcn1": s(ks[5], (H * H, H)), "b_gcn1": jnp.zeros((H,), jnp.float32),
        "W_mlp1_1": s(ks[6], (H, H)), "b_mlp1_1": jnp.zeros((H,), jnp.float32),
        "W_mlp1_2": s(ks[7], (H, H * H)), "b_mlp1_2": jnp.zeros((H * H,), jnp.float32),
    }

def _gcn_conv(h, edge_index, W, b):
    # GCNConv with symmetric normalization and self-loops (PyG semantics)
    n = h.shape[0]
    h = h @ W
    loop = jnp.arange(n, dtype=edge_index.dtype)
    row = jnp.concatenate([edge_index[0], loop])
    col = jnp.concatenate([edge_index[1], loop])
    deg = jnp.zeros((n,), h.dtype).at[col].add(1.0)
    dis = jnp.where(deg > 0, deg ** -0.5, 0.0)
    norm = dis[row] * dis[col]
    msg = h[row] * norm[:, None]          # gather (SparseCore)
    out = jnp.zeros_like(h).at[col].add(msg)  # scatter-add (SparseCore)
    return out + b

def _mlp(h, W1, b1, W2, b2):
    return jax.nn.relu(h @ W1 + b1) @ W2 + b2

def reference(x, edge_index,
              W_gcn0, b_gcn0, W_mlp0_1, b_mlp0_1, W_mlp0_2, b_mlp0_2,
              W_gcn1, b_gcn1, W_mlp1_1, b_mlp1_1, W_mlp1_2, b_mlp1_2):
    # TenGCN GCN stack (self.GCNs + self.mlps over num_layers-1 = 2 layers)
    h = _gcn_conv(x, edge_index, W_gcn0, b_gcn0)
    h = _mlp(h, W_mlp0_1, b_mlp0_1, W_mlp0_2, b_mlp0_2)
    h = jax.nn.relu(h)
    h = _gcn_conv(h, edge_index, W_gcn1, b_gcn1)
    h = _mlp(h, W_mlp1_1, b_mlp1_1, W_mlp1_2, b_mlp1_2)
    return h

if __name__ == "__main__":
    import jax
    _d = setup_inputs()
    print(jax.jit(kernel)(*tuple(_d.values())))

</pallas_src>

<mosaic_0001>
#map = affine_map<(d0, d1) -> (0, 0)>
#map1 = affine_map<(d0, d1) -> (0, 0, 0)>
module attributes {stable_mosaic.version = 14 : i64} {
  func.func @_sc_prop_body(%arg0: i32, %arg1: i32, %arg2: memref<10000x32xf32, #tpu.memory_space<hbm>>, %arg3: memref<2500x128xi32, #tpu.memory_space<hbm>>, %arg4: memref<2500x128xi32, #tpu.memory_space<hbm>>, %arg5: memref<640x32xf32, #tpu.memory_space<hbm>>, %arg6: memref<2x10240x32xf32, #tpu.memory_space<hbm>>, %arg7: memref<10240x32xf32, #tpu.memory_space<vmem_shared>>, %arg8: memref<10000x32xf32, #tpu.memory_space<vmem_shared>>, %arg9: memref<79x128xi32, #tpu.memory_space<vmem>>, %arg10: memref<79x128xi32, #tpu.memory_space<vmem>>, %arg11: memref<128x32xf32, #tpu.memory_space<vmem>>, %arg12: memref<128x32xf32, #tpu.memory_space<vmem>>, %arg13: memref<!tpu.dma_semaphore, #tpu.memory_space<semaphore_mem>>, %arg14: memref<!tpu.dma_semaphore, #tpu.memory_space<semaphore_mem>>, %arg15: memref<!tpu.dma_semaphore, #tpu.memory_space<semaphore_mem>>, %arg16: memref<!tpu.dma_semaphore, #tpu.memory_space<semaphore_mem>>) attributes {dimension_semantics = [#tpu.dimension_semantics<core_parallel>, #tpu.dimension_semantics<subcore_parallel>], iteration_bounds = array<i64: 2, 16>, scalar_prefetch = 0 : i64, scratch_operands = 10 : i64, tpu.core_type = #tpu.core_type<sc_vector_subcore>, window_params = [{transform_indices = #map}, {transform_indices = #map}, {transform_indices = #map}, {transform_indices = #map}, {transform_indices = #map1}]} {
    %mul3A = arith.constant 16 : i32
    %mul3A_0 = arith.muli %arg0, %mul3A : i32
    %add3A = arith.addi %mul3A_0, %arg1 : i32
    %mul3A_1 = arith.constant 640 : i32
    %mul3A_2 = arith.muli %arg1, %mul3A_1 : i32
    %mul3A_3 = arith.constant 78 : i32
    %mul3A_4 = arith.muli %add3A, %mul3A_3 : i32
    %dma_start3A = arith.constant 0 : i32
    %dma_start3A_5 = arith.constant 0 : i32
    %dma_start3A_6 = tpu.memref_slice %arg9[%dma_start3A, %dma_start3A_5] : memref<79x128xi32, #tpu.memory_space<vmem>> -> memref<78x128xi32, #tpu.memory_space<vmem>>
    %dma_start3A_7 = arith.constant 0 : i32
    %dma_start3A_8 = tpu.memref_slice %arg3[%mul3A_4, %dma_start3A_7] : memref<2500x128xi32, #tpu.memory_space<hbm>> -> memref<78x128xi32, #tpu.memory_space<hbm>>
    %dma_start3A_9 = arith.constant 0 : i32
    %dma_start3A_10 = arith.constant 0 : i32
    %dma_start3A_11 = tpu.memref_slice %arg9[%dma_start3A_9, %dma_start3A_10] : memref<79x128xi32, #tpu.memory_space<vmem>> -> memref<78x128xi32, #tpu.memory_space<vmem>>
    %dma_start3A_12 = arith.constant 0 : i32
    %dma_start3A_13 = tpu.memref_slice %arg3[%mul3A_4, %dma_start3A_12] : memref<2500x128xi32, #tpu.memory_space<hbm>> -> memref<78x128xi32, #tpu.memory_space<hbm>>
    tpu.enqueue_dma source(%dma_start3A_13 : memref<78x128xi32, #tpu.memory_space<hbm>>) target(%dma_start3A_11 : memref<78x128xi32, #tpu.memory_space<vmem>>) target_semaphore(%arg13 : memref<!tpu.dma_semaphore, #tpu.memory_space<semaphore_mem>>)
    %mul3A_14 = arith.constant 78 : i32
    %mul3A_15 = arith.muli %add3A, %mul3A_14 : i32
    %dma_start3A_16 = arith.constant 0 : i32
    %dma_start3A_17 = arith.constant 0 : i32
    %dma_start3A_18 = tpu.memref_slice %arg10[%dma_start3A_16, %dma_start3A_17] : memref<79x128xi32, #tpu.memory_space<vmem>> -> memref<78x128xi32, #tpu.memory_space<vmem>>
    %dma_start3A_19 = arith.constant 0 : i32
    %dma_start3A_20 = tpu.memref_slice %arg4[%mul3A_15, %dma_start3A_19] : memref<2500x128xi32, #tpu.memory_space<hbm>> -> memref<78x128xi32, #tpu.memory_space<hbm>>
    %dma_start3A_21 = arith.constant 0 : i32
    %dma_start3A_22 = arith.constant 0 : i32
    %dma_start3A_23 = tpu.memref_slice %arg10[%dma_start3A_21, %dma_start3A_22] : memref<79x128xi32, #tpu.memory_space<vmem>> -> memref<78x128xi32, #tpu.memory_space<vmem>>
    %dma_start3A_24 = arith.constant 0 : i32
    %dma_start3A_25 = tpu.memref_slice %arg4[%mul3A_15, %dma_start3A_24] : memref<2500x128xi32, #tpu.memory_space<hbm>> -> memref<78x128xi32, #tpu.memory_space<hbm>>
    tpu.enqueue_dma source(%dma_start3A_25 : memref<78x128xi32, #tpu.memory_space<hbm>>) target(%dma_start3A_23 : memref<78x128xi32, #tpu.memory_space<vmem>>) target_semaphore(%arg14 : memref<!tpu.dma_semaphore, #tpu.memory_space<semaphore_mem>>)
    %dma_start3A_26 = arith.constant 0 : i32
    %dma_start3A_27 = tpu.memref_slice %arg7[%mul3A_2, %dma_start3A_26] : memref<10240x32xf32, #tpu.memory_space<vmem_shared>> -> memref<640x32xf32, #tpu.memory_space<vmem_shared>>
    tpu.enqueue_dma source(%arg5 : memref<640x32xf32, #tpu.memory_space<hbm>>) target(%dma_start3A_27 : memref<640x32xf32, #tpu.memory_space<vmem_shared>>) target_semaphore(%arg15 : memref<!tpu.dma_semaphore, #tpu.memory_space<semaphore_mem>>)
    %mul3A_28 = arith.constant 625 : i32
    %mul3A_29 = arith.muli %arg1, %mul3A_28 : i32
    %mul3A_30 = arith.constant 625 : i32
    %mul3A_31 = arith.muli %arg1, %mul3A_30 : i32
    %dma_start3A_32 = arith.constant 0 : i32
    %dma_start3A_33 = tpu.memref_slice %arg8[%mul3A_31, %dma_start3A_32] : memref<10000x32xf32, #tpu.memory_space<vmem_shared>> -> memref<625x32xf32, #tpu.memory_space<vmem_shared>>
    %dma_start3A_34 = arith.constant 0 : i32
    %dma_start3A_35 = tpu.memref_slice %arg2[%mul3A_29, %dma_start3A_34] : memref<10000x32xf32, #tpu.memory_space<hbm>> -> memref<625x32xf32, #tpu.memory_space<hbm>>
    tpu.enqueue_dma source(%dma_start3A_35 : memref<625x32xf32, #tpu.memory_space<hbm>>) target(%dma_start3A_33 : memref<625x32xf32, #tpu.memory_space<vmem_shared>>) target_semaphore(%arg16 : memref<!tpu.dma_semaphore, #tpu.memory_space<semaphore_mem>>)
    %dma_wait3A = arith.constant 0 : i32
    %dma_wait3A_36 = arith.constant 0 : i32
    %dma_wait3A_37 = tpu.memref_slice %arg9[%dma_wait3A, %dma_wait3A_36] : memref<79x128xi32, #tpu.memory_space<vmem>> -> memref<78x128xi32, #tpu.memory_space<vmem>>
    %dma_wait3A_38 = arith.constant 0 : i32
    %dma_wait3A_39 = tpu.memref_slice %arg3[%mul3A_4, %dma_wait3A_38] : memref<2500x128xi32, #tpu.memory_space<hbm>> -> memref<78x128xi32, #tpu.memory_space<hbm>>
    %dma_wait3A_40 = arith.constant 0 : i32
    %dma_wait3A_41 = arith.constant 0 : i32
    %dma_wait3A_42 = tpu.memref_slice %arg9[%dma_wait3A_40, %dma_wait3A_41] : memref<79x128xi32, #tpu.memory_space<vmem>> -> memref<78x128xi32, #tpu.memory_space<vmem>>
    %dma_wait3A_43 = arith.constant 0 : i32
    %dma_wait3A_44 = tpu.memref_slice %arg3[%mul3A_4, %dma_wait3A_43] : memref<2500x128xi32, #tpu.memory_space<hbm>> -> memref<78x128xi32, #tpu.memory_space<hbm>>
    tpu.wait_dma2 semaphore(%arg13 : memref<!tpu.dma_semaphore, #tpu.memory_space<semaphore_mem>>) src(%dma_wait3A_44 : memref<78x128xi32, #tpu.memory_space<hbm>>) dst(%dma_wait3A_42 : memref<78x128xi32, #tpu.memory_space<vmem>>)
    %dma_wait3A_45 = arith.constant 0 : i32
    %dma_wait3A_46 = arith.constant 0 : i32
    %dma_wait3A_47 = tpu.memref_slice %arg10[%dma_wait3A_45, %dma_wait3A_46] : memref<79x128xi32, #tpu.memory_space<vmem>> -> memref<78x128xi32, #tpu.memory_space<vmem>>
    %dma_wait3A_48 = arith.constant 0 : i32
    %dma_wait3A_49 = tpu.memref_slice %arg4[%mul3A_15, %dma_wait3A_48] : memref<2500x128xi32, #tpu.memory_space<hbm>> -> memref<78x128xi32, #tpu.memory_space<hbm>>
    %dma_wait3A_50 = arith.constant 0 : i32
    %dma_wait3A_51 = arith.constant 0 : i32
    %dma_wait3A_52 = tpu.memref_slice %arg10[%dma_wait3A_50, %dma_wait3A_51] : memref<79x128xi32, #tpu.memory_space<vmem>> -> memref<78x128xi32, #tpu.memory_space<vmem>>
    %dma_wait3A_53 = arith.constant 0 : i32
    %dma_wait3A_54 = tpu.memref_slice %arg4[%mul3A_15, %dma_wait3A_53] : memref<2500x128xi32, #tpu.memory_space<hbm>> -> memref<78x128xi32, #tpu.memory_space<hbm>>
    tpu.wait_dma2 semaphore(%arg14 : memref<!tpu.dma_semaphore, #tpu.memory_space<semaphore_mem>>) src(%dma_wait3A_54 : memref<78x128xi32, #tpu.memory_space<hbm>>) dst(%dma_wait3A_52 : memref<78x128xi32, #tpu.memory_space<vmem>>)
    %dma_wait3A_55 = arith.constant 0 : i32
    %dma_wait3A_56 = tpu.memref_slice %arg7[%mul3A_2, %dma_wait3A_55] : memref<10240x32xf32, #tpu.memory_space<vmem_shared>> -> memref<640x32xf32, #tpu.memory_space<vmem_shared>>
    tpu.wait_dma2 semaphore(%arg15 : memref<!tpu.dma_semaphore, #tpu.memory_space<semaphore_mem>>) src(%arg5 : memref<640x32xf32, #tpu.memory_space<hbm>>) dst(%dma_wait3A_56 : memref<640x32xf32, #tpu.memory_space<vmem_shared>>)
    %dma_wait3A_57 = arith.constant 0 : i32
    %dma_wait3A_58 = tpu.memref_slice %arg8[%mul3A_31, %dma_wait3A_57] : memref<10000x32xf32, #tpu.memory_space<vmem_shared>> -> memref<625x32xf32, #tpu.memory_space<vmem_shared>>
    %dma_wait3A_59 = arith.constant 0 : i32
    %dma_wait3A_60 = tpu.memref_slice %arg2[%mul3A_29, %dma_wait3A_59] : memref<10000x32xf32, #tpu.memory_space<hbm>> -> memref<625x32xf32, #tpu.memory_space<hbm>>
    tpu.wait_dma2 semaphore(%arg16 : memref<!tpu.dma_semaphore, #tpu.memory_space<semaphore_mem>>) src(%dma_wait3A_60 : memref<625x32xf32, #tpu.memory_space<hbm>>) dst(%dma_wait3A_58 : memref<625x32xf32, #tpu.memory_space<vmem_shared>>)
    %lt3A = arith.constant 4 : i32
    %lt3A_61 = arith.cmpi slt, %add3A, %lt3A : i32
    %convert_element_type3A = arith.extui %lt3A_61 : i1 to i32
    %cond3A = arith.constant 0 : i32
    %cond3A_62 = arith.cmpi ne, %convert_element_type3A, %cond3A : i32
    scf.if %cond3A_62 {
      %add3A_81 = arith.constant 2496 : i32
      %add3A_82 = arith.addi %add3A_81, %add3A : i32
      "tpu.region"() ({
        %run_scoped3A = tpu.sem_alloc : memref<!tpu.dma_semaphore, #tpu.memory_space<semaphore_mem>>
        %dma_start3A_85 = arith.constant 78 : i32
        %dma_start3A_86 = arith.constant 0 : i32
        %dma_start3A_87 = tpu.memref_slice %arg9[%dma_start3A_85, %dma_start3A_86] : memref<79x128xi32, #tpu.memory_space<vmem>> -> memref<1x128xi32, #tpu.memory_space<vmem>>
        %dma_start3A_88 = arith.constant 0 : i32
        %dma_start3A_89 = tpu.memref_slice %arg3[%add3A_82, %dma_start3A_88] : memref<2500x128xi32, #tpu.memory_space<hbm>> -> memref<1x128xi32, #tpu.memory_space<hbm>>
        %dma_start3A_90 = arith.constant 78 : i32
        %dma_start3A_91 = arith.constant 0 : i32
        %dma_start3A_92 = tpu.memref_slice %arg9[%dma_start3A_90, %dma_start3A_91] : memref<79x128xi32, #tpu.memory_space<vmem>> -> memref<1x128xi32, #tpu.memory_space<vmem>>
        %dma_start3A_93 = arith.constant 0 : i32
        %dma_start3A_94 = tpu.memref_slice %arg3[%add3A_82, %dma_start3A_93] : memref<2500x128xi32, #tpu.memory_space<hbm>> -> memref<1x128xi32, #tpu.memory_space<hbm>>
        tpu.enqueue_dma source(%dma_start3A_94 : memref<1x128xi32, #tpu.memory_space<hbm>>) target(%dma_start3A_92 : memref<1x128xi32, #tpu.memory_space<vmem>>) target_semaphore(%run_scoped3A : memref<!tpu.dma_semaphore, #tpu.memory_space<semaphore_mem>>)
        %dma_wait3A_95 = arith.constant 78 : i32
        %dma_wait3A_96 = arith.constant 0 : i32
        %dma_wait3A_97 = tpu.memref_slice %arg9[%dma_wait3A_95, %dma_wait3A_96] : memref<79x128xi32, #tpu.memory_space<vmem>> -> memref<1x128xi32, #tpu.memory_space<vmem>>
        %dma_wait3A_98 = arith.constant 0 : i32
        %dma_wait3A_99 = tpu.memref_slice %arg3[%add3A_82, %dma_wait3A_98] : memref<2500x128xi32, #tpu.memory_space<hbm>> -> memref<1x128xi32, #tpu.memory_space<hbm>>
        %dma_wait3A_100 = arith.constant 78 : i32
        %dma_wait3A_101 = arith.constant 0 : i32
        %dma_wait3A_102 = tpu.memref_slice %arg9[%dma_wait3A_100, %dma_wait3A_101] : memref<79x128xi32, #tpu.memory_space<vmem>> -> memref<1x128xi32, #tpu.memory_space<vmem>>
        %dma_wait3A_103 = arith.constant 0 : i32
        %dma_wait3A_104 = tpu.memref_slice %arg3[%add3A_82, %dma_wait3A_103] : memref<2500x128xi32, #tpu.memory_space<hbm>> -> memref<1x128xi32, #tpu.memory_space<hbm>>
        tpu.wait_dma2 semaphore(%run_scoped3A : memref<!tpu.dma_semaphore, #tpu.memory_space<semaphore_mem>>) src(%dma_wait3A_104 : memref<1x128xi32, #tpu.memory_space<hbm>>) dst(%dma_wait3A_102 : memref<1x128xi32, #tpu.memory_space<vmem>>)
        tpu.yield
      }) : () -> ()
      %add3A_83 = arith.constant 2496 : i32
      %add3A_84 = arith.addi %add3A_83, %add3A : i32
      "tpu.region"() ({
        %run_scoped3A = tpu.sem_alloc : memref<!tpu.dma_semaphore, #tpu.memory_space<semaphore_mem>>
        %dma_start3A_85 = arith.constant 78 : i32
        %dma_start3A_86 = arith.constant 0 : i32
        %dma_start3A_87 = tpu.memref_slice %arg10[%dma_start3A_85, %dma_start3A_86] : memref<79x128xi32, #tpu.memory_space<vmem>> -> memref<1x128xi32, #tpu.memory_space<vmem>>
        %dma_start3A_88 = arith.constant 0 : i32
        %dma_start3A_89 = tpu.memref_slice %arg4[%add3A_84, %dma_start3A_88] : memref<2500x128xi32, #tpu.memory_space<hbm>> -> memref<1x128xi32, #tpu.memory_space<hbm>>
        %dma_start3A_90 = arith.constant 78 : i32
        %dma_start3A_91 = arith.constant 0 : i32
        %dma_start3A_92 = tpu.memref_slice %arg10[%dma_start3A_90, %dma_start3A_91] : memref<79x128xi32, #tpu.memory_space<vmem>> -> memref<1x128xi32, #tpu.memory_space<vmem>>
        %dma_start3A_93 = arith.constant 0 : i32
        %dma_start3A_94 = tpu.memref_slice %arg4[%add3A_84, %dma_start3A_93] : memref<2500x128xi32, #tpu.memory_space<hbm>> -> memref<1x128xi32, #tpu.memory_space<hbm>>
        tpu.enqueue_dma source(%dma_start3A_94 : memref<1x128xi32, #tpu.memory_space<hbm>>) target(%dma_start3A_92 : memref<1x128xi32, #tpu.memory_space<vmem>>) target_semaphore(%run_scoped3A : memref<!tpu.dma_semaphore, #tpu.memory_space<semaphore_mem>>)
        %dma_wait3A_95 = arith.constant 78 : i32
        %dma_wait3A_96 = arith.constant 0 : i32
        %dma_wait3A_97 = tpu.memref_slice %arg10[%dma_wait3A_95, %dma_wait3A_96] : memref<79x128xi32, #tpu.memory_space<vmem>> -> memref<1x128xi32, #tpu.memory_space<vmem>>
        %dma_wait3A_98 = arith.constant 0 : i32
        %dma_wait3A_99 = tpu.memref_slice %arg4[%add3A_84, %dma_wait3A_98] : memref<2500x128xi32, #tpu.memory_space<hbm>> -> memref<1x128xi32, #tpu.memory_space<hbm>>
        %dma_wait3A_100 = arith.constant 78 : i32
        %dma_wait3A_101 = arith.constant 0 : i32
        %dma_wait3A_102 = tpu.memref_slice %arg10[%dma_wait3A_100, %dma_wait3A_101] : memref<79x128xi32, #tpu.memory_space<vmem>> -> memref<1x128xi32, #tpu.memory_space<vmem>>
        %dma_wait3A_103 = arith.constant 0 : i32
        %dma_wait3A_104 = tpu.memref_slice %arg4[%add3A_84, %dma_wait3A_103] : memref<2500x128xi32, #tpu.memory_space<hbm>> -> memref<1x128xi32, #tpu.memory_space<hbm>>
        tpu.wait_dma2 semaphore(%run_scoped3A : memref<!tpu.dma_semaphore, #tpu.memory_space<semaphore_mem>>) src(%dma_wait3A_104 : memref<1x128xi32, #tpu.memory_space<hbm>>) dst(%dma_wait3A_102 : memref<1x128xi32, #tpu.memory_space<vmem>>)
        tpu.yield
      }) : () -> ()
    } else {
    }
    %barrier3A = arith.constant 0 : index
    tpu.barrier barrier_id(%barrier3A)
    %dma_start3A_63 = arith.constant 0 : i32
    %dma_start3A_64 = arith.constant 0 : i32
    %dma_start3A_65 = tpu.memref_slice %arg9[%dma_start3A_63, %dma_start3A_64] : memref<79x128xi32, #tpu.memory_space<vmem>> -> memref<1x128xi32, #tpu.memory_space<vmem>>
    %dma_start3A_66 = tpu.memref_squeeze %dma_start3A_65 : memref<1x128xi32, #tpu.memory_space<vmem>> -> memref<128xi32, #tpu.memory_space<vmem>>
    %dma_start3A_67 = arith.constant 0 : i32
    %dma_start3A_68 = arith.constant 0 : i32
    %dma_start3A_69 = tpu.memref_slice %arg8[%dma_start3A_67, %dma_start3A_68] : memref<10000x32xf32, #tpu.memory_space<vmem_shared>> -> memref<10000x32xf32, #tpu.memory_space<vmem_shared>>
    tpu.enqueue_indirect_dma source(%dma_start3A_69 : memref<10000x32xf32, #tpu.memory_space<vmem_shared>>) target(%arg11 : memref<128x32xf32, #tpu.memory_space<vmem>>) offsets(%dma_start3A_66 : memref<128xi32, #tpu.memory_space<vmem>>) semaphore(%arg13 : memref<!tpu.dma_semaphore, #tpu.memory_space<semaphore_mem>>)
    %scan3A = arith.constant 0 : i32
    %scan3A_70 = arith.constant 0 : i32
    %scan3A_71 = arith.constant 39 : i32
    %scan3A_72 = arith.addi %scan3A_70, %scan3A_71 : i32
    %scan3A_73 = arith.constant 1 : i32
    scf.for %scan3A_81 = %scan3A_70 to %scan3A_72 step %scan3A_73  : i32 {
      %mul3A_82 = arith.constant 2 : i32
      %mul3A_83 = arith.muli %mul3A_82, %scan3A_81 : i32
      %add3A_84 = arith.constant 1 : i32
      %add3A_85 = arith.addi %mul3A_83, %add3A_84 : i32
      %dma_start3A_86 = arith.constant 0 : i32
      %dma_start3A_87 = tpu.memref_slice %arg9[%add3A_85, %dma_start3A_86] : memref<79x128xi32, #tpu.memory_space<vmem>> -> memref<1x128xi32, #tpu.memory_space<vmem>>
      %dma_start3A_88 = tpu.memref_squeeze %dma_start3A_87 : memref<1x128xi32, #tpu.memory_space<vmem>> -> memref<128xi32, #tpu.memory_space<vmem>>
      %dma_start3A_89 = arith.constant 0 : i32
      %dma_start3A_90 = arith.constant 0 : i32
      %dma_start3A_91 = tpu.memref_slice %arg8[%dma_start3A_89, %dma_start3A_90] : memref<10000x32xf32, #tpu.memory_space<vmem_shared>> -> memref<10000x32xf32, #tpu.memory_space<vmem_shared>>
      tpu.enqueue_indirect_dma source(%dma_start3A_91 : memref<10000x32xf32, #tpu.memory_space<vmem_shared>>) target(%arg12 : memref<128x32xf32, #tpu.memory_space<vmem>>) offsets(%dma_start3A_88 : memref<128xi32, #tpu.memory_space<vmem>>) semaphore(%arg14 : memref<!tpu.dma_semaphore, #tpu.memory_space<semaphore_mem>>)
      %dma_wait3A_92 = arith.constant 0 : i32
      %dma_wait3A_93 = tpu.memref_slice %arg9[%mul3A_83, %dma_wait3A_92] : memref<79x128xi32, #tpu.memory_space<vmem>> -> memref<1x128xi32, #tpu.memory_space<vmem>>
      %dma_wait3A_94 = tpu.memref_squeeze %dma_wait3A_93 : memref<1x128xi32, #tpu.memory_space<vmem>> -> memref<128xi32, #tpu.memory_space<vmem>>
      %dma_wait3A_95 = arith.constant 0 : i32
      %dma_wait3A_96 = arith.constant 0 : i32
      %dma_wait3A_97 = tpu.memref_slice %arg8[%dma_wait3A_95, %dma_wait3A_96] : memref<10000x32xf32, #tpu.memory_space<vmem_shared>> -> memref<10000x32xf32, #tpu.memory_space<vmem_shared>>
      tpu.wait_indirect_dma semaphore(%arg13 : memref<!tpu.dma_semaphore, #tpu.memory_space<semaphore_mem>>) src(%dma_wait3A_97 : memref<10000x32xf32, #tpu.memory_space<vmem_shared>>) dst(%arg11 : memref<128x32xf32, #tpu.memory_space<vmem>>)
      "tpu.region"() ({
        %run_scoped3A = tpu.sem_alloc : memref<!tpu.dma_semaphore, #tpu.memory_space<semaphore_mem>>
        %dma_start3A_111 = arith.constant 0 : i32
        %dma_start3A_112 = tpu.memref_slice %arg10[%mul3A_83, %dma_start3A_111] : memref<79x128xi32, #tpu.memory_space<vmem>> -> memref<1x128xi32, #tpu.memory_space<vmem>>
        %dma_start3A_113 = tpu.memref_squeeze %dma_start3A_112 : memref<1x128xi32, #tpu.memory_space<vmem>> -> memref<128xi32, #tpu.memory_space<vmem>>
        %dma_start3A_114 = arith.constant 0 : i32
        %dma_start3A_115 = arith.constant 0 : i32
        %dma_start3A_116 = tpu.memref_slice %arg7[%dma_start3A_114, %dma_start3A_115] : memref<10240x32xf32, #tpu.memory_space<vmem_shared>> -> memref<10240x32xf32, #tpu.memory_space<vmem_shared>>
        tpu.enqueue_indirect_dma source(%arg11 : memref<128x32xf32, #tpu.memory_space<vmem>>) target(%dma_start3A_116 : memref<10240x32xf32, #tpu.memory_space<vmem_shared>>) offsets(%dma_start3A_113 : memref<128xi32, #tpu.memory_space<vmem>>) semaphore(%run_scoped3A : memref<!tpu.dma_semaphore, #tpu.memory_space<semaphore_mem>>) {add = true}
        %dma_wait3A_117 = arith.constant 0 : i32
        %dma_wait3A_118 = tpu.memref_slice %arg10[%mul3A_83, %dma_wait3A_117] : memref<79x128xi32, #tpu.memory_space<vmem>> -> memref<1x128xi32, #tpu.memory_space<vmem>>
        %dma_wait3A_119 = tpu.memref_squeeze %dma_wait3A_118 : memref<1x128xi32, #tpu.memory_space<vmem>> -> memref<128xi32, #tpu.memory_space<vmem>>
        %dma_wait3A_120 = arith.constant 0 : i32
        %dma_wait3A_121 = arith.constant 0 : i32
        %dma_wait3A_122 = tpu.memref_slice %arg7[%dma_wait3A_120, %dma_wait3A_121] : memref<10240x32xf32, #tpu.memory_space<vmem_shared>> -> memref<10240x32xf32, #tpu.memory_space<vmem_shared>>
        tpu.wait_indirect_dma semaphore(%run_scoped3A : memref<!tpu.dma_semaphore, #tpu.memory_space<semaphore_mem>>) src(%arg11 : memref<128x32xf32, #tpu.memory_space<vmem>>) dst(%dma_wait3A_122 : memref<10240x32xf32, #tpu.memory_space<vmem_shared>>)
        tpu.yield
      }) : () -> ()
      %add3A_98 = arith.constant 1 : i32
      %add3A_99 = arith.addi %add3A_85, %add3A_98 : i32
      %lt3A_100 = arith.constant 78 : i32
      %lt3A_101 = arith.cmpi slt, %add3A_99, %lt3A_100 : i32
      %convert_element_type3A_102 = arith.extui %lt3A_101 : i1 to i32
      %cond3A_103 = arith.constant 0 : i32
      %cond3A_104 = arith.cmpi ne, %convert_element_type3A_102, %cond3A_103 : i32
      scf.if %cond3A_104 {
        %add3A_111 = arith.constant 1 : i32
        %add3A_112 = arith.addi %add3A_85, %add3A_111 : i32
        %dma_start3A_113 = arith.constant 0 : i32
        %dma_start3A_114 = tpu.memref_slice %arg9[%add3A_112, %dma_start3A_113] : memref<79x128xi32, #tpu.memory_space<vmem>> -> memref<1x128xi32, #tpu.memory_space<vmem>>
        %dma_start3A_115 = tpu.memref_squeeze %dma_start3A_114 : memref<1x128xi32, #tpu.memory_space<vmem>> -> memref<128xi32, #tpu.memory_space<vmem>>
        %dma_start3A_116 = arith.constant 0 : i32
        %dma_start3A_117 = arith.constant 0 : i32
        %dma_start3A_118 = tpu.memref_slice %arg8[%dma_start3A_116, %dma_start3A_117] : memref<10000x32xf32, #tpu.memory_space<vmem_shared>> -> memref<10000x32xf32, #tpu.memory_space<vmem_shared>>
        tpu.enqueue_indirect_dma source(%dma_start3A_118 : memref<10000x32xf32, #tpu.memory_space<vmem_shared>>) target(%arg11 : memref<128x32xf32, #tpu.memory_space<vmem>>) offsets(%dma_start3A_115 : memref<128xi32, #tpu.memory_space<vmem>>) semaphore(%arg13 : memref<!tpu.dma_semaphore, #tpu.memory_space<semaphore_mem>>)
      } else {
      }
      %dma_wait3A_105 = arith.constant 0 : i32
      %dma_wait3A_106 = tpu.memref_slice %arg9[%add3A_85, %dma_wait3A_105] : memref<79x128xi32, #tpu.memory_space<vmem>> -> memref<1x128xi32, #tpu.memory_space<vmem>>
      %dma_wait3A_107 = tpu.memref_squeeze %dma_wait3A_106 : memref<1x128xi32, #tpu.memory_space<vmem>> -> memref<128xi32, #tpu.memory_space<vmem>>
      %dma_wait3A_108 = arith.constant 0 : i32
      %dma_wait3A_109 = arith.constant 0 : i32
      %dma_wait3A_110 = tpu.memref_slice %arg8[%dma_wait3A_108, %dma_wait3A_109] : memref<10000x32xf32, #tpu.memory_space<vmem_shared>> -> memref<10000x32xf32, #tpu.memory_space<vmem_shared>>
      tpu.wait_indirect_dma semaphore(%arg14 : memref<!tpu.dma_semaphore, #tpu.memory_space<semaphore_mem>>) src(%dma_wait3A_110 : memref<10000x32xf32, #tpu.memory_space<vmem_shared>>) dst(%arg12 : memref<128x32xf32, #tpu.memory_space<vmem>>)
      "tpu.region"() ({
        %run_scoped3A = tpu.sem_alloc : memref<!tpu.dma_semaphore, #tpu.memory_space<semaphore_mem>>
        %dma_start3A_111 = arith.constant 0 : i32
        %dma_start3A_112 = tpu.memref_slice %arg10[%add3A_85, %dma_start3A_111] : memref<79x128xi32, #tpu.memory_space<vmem>> -> memref<1x128xi32, #tpu.memory_space<vmem>>
        %dma_start3A_113 = tpu.memref_squeeze %dma_start3A_112 : memref<1x128xi32, #tpu.memory_space<vmem>> -> memref<128xi32, #tpu.memory_space<vmem>>
        %dma_start3A_114 = arith.constant 0 : i32
        %dma_start3A_115 = arith.constant 0 : i32
        %dma_start3A_116 = tpu.memref_slice %arg7[%dma_start3A_114, %dma_start3A_115] : memref<10240x32xf32, #tpu.memory_space<vmem_shared>> -> memref<10240x32xf32, #tpu.memory_space<vmem_shared>>
        tpu.enqueue_indirect_dma source(%arg12 : memref<128x32xf32, #tpu.memory_space<vmem>>) target(%dma_start3A_116 : memref<10240x32xf32, #tpu.memory_space<vmem_shared>>) offsets(%dma_start3A_113 : memref<128xi32, #tpu.memory_space<vmem>>) semaphore(%run_scoped3A : memref<!tpu.dma_semaphore, #tpu.memory_space<semaphore_mem>>) {add = true}
        %dma_wait3A_117 = arith.constant 0 : i32
        %dma_wait3A_118 = tpu.memref_slice %arg10[%add3A_85, %dma_wait3A_117] : memref<79x128xi32, #tpu.memory_space<vmem>> -> memref<1x128xi32, #tpu.memory_space<vmem>>
        %dma_wait3A_119 = tpu.memref_squeeze %dma_wait3A_118 : memref<1x128xi32, #tpu.memory_space<vmem>> -> memref<128xi32, #tpu.memory_space<vmem>>
        %dma_wait3A_120 = arith.constant 0 : i32
        %dma_wait3A_121 = arith.constant 0 : i32
        %dma_wait3A_122 = tpu.memref_slice %arg7[%dma_wait3A_120, %dma_wait3A_121] : memref<10240x32xf32, #tpu.memory_space<vmem_shared>> -> memref<10240x32xf32, #tpu.memory_space<vmem_shared>>
        tpu.wait_indirect_dma semaphore(%run_scoped3A : memref<!tpu.dma_semaphore, #tpu.memory_space<semaphore_mem>>) src(%arg12 : memref<128x32xf32, #tpu.memory_space<vmem>>) dst(%dma_wait3A_122 : memref<10240x32xf32, #tpu.memory_space<vmem_shared>>)
        tpu.yield
      }) : () -> ()
    }
    %scan3A_74 = arith.constant 39 : i32
    %lt3A_75 = arith.constant 4 : i32
    %lt3A_76 = arith.cmpi slt, %add3A, %lt3A_75 : i32
    %convert_element_type3A_77 = arith.extui %lt3A_76 : i1 to i32
    %cond3A_78 = arith.constant 0 : i32
    %cond3A_79 = arith.cmpi ne, %convert_element_type3A_77, %cond3A_78 : i32
    scf.if %cond3A_79 {
      %run_scoped3A = arith.constant 78 : i32
      "tpu.region"() ({
        %run_scoped3A_82 = tpu.sem_alloc : memref<!tpu.dma_semaphore, #tpu.memory_space<semaphore_mem>>
        %dma_start3A_83 = arith.constant 0 : i32
        %dma_start3A_84 = tpu.memref_slice %arg9[%run_scoped3A, %dma_start3A_83] : memref<79x128xi32, #tpu.memory_space<vmem>> -> memref<1x128xi32, #tpu.memory_space<vmem>>
        %dma_start3A_85 = tpu.memref_squeeze %dma_start3A_84 : memref<1x128xi32, #tpu.memory_space<vmem>> -> memref<128xi32, #tpu.memory_space<vmem>>
        %dma_start3A_86 = arith.constant 0 : i32
        %dma_start3A_87 = arith.constant 0 : i32
        %dma_start3A_88 = tpu.memref_slice %arg8[%dma_start3A_86, %dma_start3A_87] : memref<10000x32xf32, #tpu.memory_space<vmem_shared>> -> memref<10000x32xf32, #tpu.memory_space<vmem_shared>>
        tpu.enqueue_indirect_dma source(%dma_start3A_88 : memref<10000x32xf32, #tpu.memory_space<vmem_shared>>) target(%arg11 : memref<128x32xf32, #tpu.memory_space<vmem>>) offsets(%dma_start3A_85 : memref<128xi32, #tpu.memory_space<vmem>>) semaphore(%run_scoped3A_82 : memref<!tpu.dma_semaphore, #tpu.memory_space<semaphore_mem>>)
        %dma_wait3A_89 = arith.constant 0 : i32
        %dma_wait3A_90 = tpu.memref_slice %arg9[%run_scoped3A, %dma_wait3A_89] : memref<79x128xi32, #tpu.memory_space<vmem>> -> memref<1x128xi32, #tpu.memory_space<vmem>>
        %dma_wait3A_91 = tpu.memref_squeeze %dma_wait3A_90 : memref<1x128xi32, #tpu.memory_space<vmem>> -> memref<128xi32, #tpu.memory_space<vmem>>
        %dma_wait3A_92 = arith.constant 0 : i32
        %dma_wait3A_93 = arith.constant 0 : i32
        %dma_wait3A_94 = tpu.memref_slice %arg8[%dma_wait3A_92, %dma_wait3A_93] : memref<10000x32xf32, #tpu.memory_space<vmem_shared>> -> memref<10000x32xf32, #tpu.memory_space<vmem_shared>>
        tpu.wait_indirect_dma semaphore(%run_scoped3A_82 : memref<!tpu.dma_semaphore, #tpu.memory_space<semaphore_mem>>) src(%dma_wait3A_94 : memref<10000x32xf32, #tpu.memory_space<vmem_shared>>) dst(%arg11 : memref<128x32xf32, #tpu.memory_space<vmem>>)
        tpu.yield
      }) : () -> ()
      %run_scoped3A_81 = arith.constant 78 : i32
      "tpu.region"() ({
        %run_scoped3A_82 = tpu.sem_alloc : memref<!tpu.dma_semaphore, #tpu.memory_space<semaphore_mem>>
        %dma_start3A_83 = arith.constant 0 : i32
        %dma_start3A_84 = tpu.memref_slice %arg10[%run_scoped3A_81, %dma_start3A_83] : memref<79x128xi32, #tpu.memory_space<vmem>> -> memref<1x128xi32, #tpu.memory_space<vmem>>
        %dma_start3A_85 = tpu.memref_squeeze %dma_start3A_84 : memref<1x128xi32, #tpu.memory_space<vmem>> -> memref<128xi32, #tpu.memory_space<vmem>>
        %dma_start3A_86 = arith.constant 0 : i32
        %dma_start3A_87 = arith.constant 0 : i32
        %dma_start3A_88 = tpu.memref_slice %arg7[%dma_start3A_86, %dma_start3A_87] : memref<10240x32xf32, #tpu.memory_space<vmem_shared>> -> memref<10240x32xf32, #tpu.memory_space<vmem_shared>>
        tpu.enqueue_indirect_dma source(%arg11 : memref<128x32xf32, #tpu.memory_space<vmem>>) target(%dma_start3A_88 : memref<10240x32xf32, #tpu.memory_space<vmem_shared>>) offsets(%dma_start3A_85 : memref<128xi32, #tpu.memory_space<vmem>>) semaphore(%run_scoped3A_82 : memref<!tpu.dma_semaphore, #tpu.memory_space<semaphore_mem>>) {add = true}
        %dma_wait3A_89 = arith.constant 0 : i32
        %dma_wait3A_90 = tpu.memref_slice %arg10[%run_scoped3A_81, %dma_wait3A_89] : memref<79x128xi32, #tpu.memory_space<vmem>> -> memref<1x128xi32, #tpu.memory_space<vmem>>
        %dma_wait3A_91 = tpu.memref_squeeze %dma_wait3A_90 : memref<1x128xi32, #tpu.memory_space<vmem>> -> memref<128xi32, #tpu.memory_space<vmem>>
        %dma_wait3A_92 = arith.constant 0 : i32
        %dma_wait3A_93 = arith.constant 0 : i32
        %dma_wait3A_94 = tpu.memref_slice %arg7[%dma_wait3A_92, %dma_wait3A_93] : memref<10240x32xf32, #tpu.memory_space<vmem_shared>> -> memref<10240x32xf32, #tpu.memory_space<vmem_shared>>
        tpu.wait_indirect_dma semaphore(%run_scoped3A_82 : memref<!tpu.dma_semaphore, #tpu.memory_space<semaphore_mem>>) src(%arg11 : memref<128x32xf32, #tpu.memory_space<vmem>>) dst(%dma_wait3A_94 : memref<10240x32xf32, #tpu.memory_space<vmem_shared>>)
        tpu.yield
      }) : () -> ()
    } else {
    }
    %barrier3A_80 = arith.constant 0 : index
    tpu.barrier barrier_id(%barrier3A_80)
    "tpu.region"() ({
      %run_scoped3A = tpu.sem_alloc : memref<!tpu.dma_semaphore, #tpu.memory_space<semaphore_mem>>
      %dma_start3A_81 = arith.constant 0 : i32
      %dma_start3A_82 = tpu.memref_slice %arg6[%arg0, %mul3A_2, %dma_start3A_81] : memref<2x10240x32xf32, #tpu.memory_space<hbm>> -> memref<1x640x32xf32, #tpu.memory_space<hbm>>
      %dma_start3A_83 = tpu.memref_squeeze %dma_start3A_82 : memref<1x640x32xf32, #tpu.memory_space<hbm>> -> memref<640x32xf32, #tpu.memory_space<hbm>>
      %dma_start3A_84 = arith.constant 0 : i32
      %dma_start3A_85 = tpu.memref_slice %arg7[%mul3A_2, %dma_start3A_84] : memref<10240x32xf32, #tpu.memory_space<vmem_shared>> -> memref<640x32xf32, #tpu.memory_space<vmem_shared>>
      tpu.enqueue_dma source(%dma_start3A_85 : memref<640x32xf32, #tpu.memory_space<vmem_shared>>) target(%dma_start3A_83 : memref<640x32xf32, #tpu.memory_space<hbm>>) target_semaphore(%run_scoped3A : memref<!tpu.dma_semaphore, #tpu.memory_space<semaphore_mem>>)
      %dma_wait3A_86 = arith.constant 0 : i32
      %dma_wait3A_87 = tpu.memref_slice %arg6[%arg0, %mul3A_2, %dma_wait3A_86] : memref<2x10240x32xf32, #tpu.memory_space<hbm>> -> memref<1x640x32xf32, #tpu.memory_space<hbm>>
      %dma_wait3A_88 = tpu.memref_squeeze %dma_wait3A_87 : memref<1x640x32xf32, #tpu.memory_space<hbm>> -> memref<640x32xf32, #tpu.memory_space<hbm>>
      %dma_wait3A_89 = arith.constant 0 : i32
      %dma_wait3A_90 = tpu.memref_slice %arg7[%mul3A_2, %dma_wait3A_89] : memref<10240x32xf32, #tpu.memory_space<vmem_shared>> -> memref<640x32xf32, #tpu.memory_space<vmem_shared>>
      tpu.wait_dma2 semaphore(%run_scoped3A : memref<!tpu.dma_semaphore, #tpu.memory_space<semaphore_mem>>) src(%dma_wait3A_90 : memref<640x32xf32, #tpu.memory_space<vmem_shared>>) dst(%dma_wait3A_88 : memref<640x32xf32, #tpu.memory_space<hbm>>)
      tpu.yield
    }) : () -> ()
    return
  }
}

#map = affine_map<(d0, d1) -> (0, 0)>
#map1 = affine_map<(d0, d1) -> (0, 0, 0)>
module attributes {stable_mosaic.version = 14 : i64} {
  func.func @_sc_prop_body(%arg0: i32, %arg1: i32, %arg2: memref<10000x32xf32, #tpu.memory_space<hbm>>, %arg3: memref<2500x128xi32, #tpu.memory_space<hbm>>, %arg4: memref<2500x128xi32, #tpu.memory_space<hbm>>, %arg5: memref<640x32xf32, #tpu.memory_space<hbm>>, %arg6: memref<2x10240x32xf32, #tpu.memory_space<hbm>>, %arg7: memref<10240x32xf32, #tpu.memory_space<vmem_shared>>, %arg8: memref<10000x32xf32, #tpu.memory_space<vmem_shared>>, %arg9: memref<79x128xi32, #tpu.memory_space<vmem>>, %arg10: memref<79x128xi32, #tpu.memory_space<vmem>>, %arg11: memref<128x32xf32, #tpu.memory_space<vmem>>, %arg12: memref<128x32xf32, #tpu.memory_space<vmem>>, %arg13: memref<!tpu.dma_semaphore, #tpu.memory_space<semaphore_mem>>, %arg14: memref<!tpu.dma_semaphore, #tpu.memory_space<semaphore_mem>>, %arg15: memref<!tpu.dma_semaphore, #tpu.memory_space<semaphore_mem>>, %arg16: memref<!tpu.dma_semaphore, #tpu.memory_space<semaphore_mem>>) attributes {dimension_semantics = [#tpu.dimension_semantics<core_parallel>, #tpu.dimension_semantics<subcore_parallel>], iteration_bounds = array<i64: 2, 16>, scalar_prefetch = 0 : i64, scratch_operands = 10 : i64, tpu.core_type = #tpu.core_type<sc_vector_subcore>, window_params = [{transform_indices = #map}, {transform_indices = #map}, {transform_indices = #map}, {transform_indices = #map}, {transform_indices = #map1}]} {
    %mul3A = arith.constant 16 : i32
    %mul3A_0 = arith.muli %arg0, %mul3A : i32
    %add3A = arith.addi %mul3A_0, %arg1 : i32
    %mul3A_1 = arith.constant 640 : i32
    %mul3A_2 = arith.muli %arg1, %mul3A_1 : i32
    %mul3A_3 = arith.constant 78 : i32
    %mul3A_4 = arith.muli %add3A, %mul3A_3 : i32
    %dma_start3A = arith.constant 0 : i32
    %dma_start3A_5 = arith.constant 0 : i32
    %dma_start3A_6 = tpu.memref_slice %arg9[%dma_start3A, %dma_start3A_5] : memref<79x128xi32, #tpu.memory_space<vmem>> -> memref<78x128xi32, #tpu.memory_space<vmem>>
    %dma_start3A_7 = arith.constant 0 : i32
    %dma_start3A_8 = tpu.memref_slice %arg3[%mul3A_4, %dma_start3A_7] : memref<2500x128xi32, #tpu.memory_space<hbm>> -> memref<78x128xi32, #tpu.memory_space<hbm>>
    %dma_start3A_9 = arith.constant 0 : i32
    %dma_start3A_10 = arith.constant 0 : i32
    %dma_start3A_11 = tpu.memref_slice %arg9[%dma_start3A_9, %dma_start3A_10] : memref<79x128xi32, #tpu.memory_space<vmem>> -> memref<78x128xi32, #tpu.memory_space<vmem>>
    %dma_start3A_12 = arith.constant 0 : i32
    %dma_start3A_13 = tpu.memref_slice %arg3[%mul3A_4, %dma_start3A_12] : memref<2500x128xi32, #tpu.memory_space<hbm>> -> memref<78x128xi32, #tpu.memory_space<hbm>>
    tpu.enqueue_dma source(%dma_start3A_13 : memref<78x128xi32, #tpu.memory_space<hbm>>) target(%dma_start3A_11 : memref<78x128xi32, #tpu.memory_space<vmem>>) target_semaphore(%arg13 : memref<!tpu.dma_semaphore, #tpu.memory_space<semaphore_mem>>)
    %mul3A_14 = arith.constant 78 : i32
    %mul3A_15 = arith.muli %add3A, %mul3A_14 : i32
    %dma_start3A_16 = arith.constant 0 : i32
    %dma_start3A_17 = arith.constant 0 : i32
    %dma_start3A_18 = tpu.memref_slice %arg10[%dma_start3A_16, %dma_start3A_17] : memref<79x128xi32, #tpu.memory_space<vmem>> -> memref<78x128xi32, #tpu.memory_space<vmem>>
    %dma_start3A_19 = arith.constant 0 : i32
    %dma_start3A_20 = tpu.memref_slice %arg4[%mul3A_15, %dma_start3A_19] : memref<2500x128xi32, #tpu.memory_space<hbm>> -> memref<78x128xi32, #tpu.memory_space<hbm>>
    %dma_start3A_21 = arith.constant 0 : i32
    %dma_start3A_22 = arith.constant 0 : i32
    %dma_start3A_23 = tpu.memref_slice %arg10[%dma_start3A_21, %dma_start3A_22] : memref<79x128xi32, #tpu.memory_space<vmem>> -> memref<78x128xi32, #tpu.memory_space<vmem>>
    %dma_start3A_24 = arith.constant 0 : i32
    %dma_start3A_25 = tpu.memref_slice %arg4[%mul3A_15, %dma_start3A_24] : memref<2500x128xi32, #tpu.memory_space<hbm>> -> memref<78x128xi32, #tpu.memory_space<hbm>>
    tpu.enqueue_dma source(%dma_start3A_25 : memref<78x128xi32, #tpu.memory_space<hbm>>) target(%dma_start3A_23 : memref<78x128xi32, #tpu.memory_space<vmem>>) target_semaphore(%arg14 : memref<!tpu.dma_semaphore, #tpu.memory_space<semaphore_mem>>)
    %dma_start3A_26 = arith.constant 0 : i32
    %dma_start3A_27 = tpu.memref_slice %arg7[%mul3A_2, %dma_start3A_26] : memref<10240x32xf32, #tpu.memory_space<vmem_shared>> -> memref<640x32xf32, #tpu.memory_space<vmem_shared>>
    tpu.enqueue_dma source(%arg5 : memref<640x32xf32, #tpu.memory_space<hbm>>) target(%dma_start3A_27 : memref<640x32xf32, #tpu.memory_space<vmem_shared>>) target_semaphore(%arg15 : memref<!tpu.dma_semaphore, #tpu.memory_space<semaphore_mem>>)
    %mul3A_28 = arith.constant 625 : i32
    %mul3A_29 = arith.muli %arg1, %mul3A_28 : i32
    %mul3A_30 = arith.constant 625 : i32
    %mul3A_31 = arith.muli %arg1, %mul3A_30 : i32
    %dma_start3A_32 = arith.constant 0 : i32
    %dma_start3A_33 = tpu.memref_slice %arg8[%mul3A_31, %dma_start3A_32] : memref<10000x32xf32, #tpu.memory_space<vmem_shared>> -> memref<625x32xf32, #tpu.memory_space<vmem_shared>>
    %dma_start3A_34 = arith.constant 0 : i32
    %dma_start3A_35 = tpu.memref_slice %arg2[%mul3A_29, %dma_start3A_34] : memref<10000x32xf32, #tpu.memory_space<hbm>> -> memref<625x32xf32, #tpu.memory_space<hbm>>
    tpu.enqueue_dma source(%dma_start3A_35 : memref<625x32xf32, #tpu.memory_space<hbm>>) target(%dma_start3A_33 : memref<625x32xf32, #tpu.memory_space<vmem_shared>>) target_semaphore(%arg16 : memref<!tpu.dma_semaphore, #tpu.memory_space<semaphore_mem>>)
    %dma_wait3A = arith.constant 0 : i32
    %dma_wait3A_36 = arith.constant 0 : i32
    %dma_wait3A_37 = tpu.memref_slice %arg9[%dma_wait3A, %dma_wait3A_36] : memref<79x128xi32, #tpu.memory_space<vmem>> -> memref<78x128xi32, #tpu.memory_space<vmem>>
    %dma_wait3A_38 = arith.constant 0 : i32
    %dma_wait3A_39 = tpu.memref_slice %arg3[%mul3A_4, %dma_wait3A_38] : memref<2500x128xi32, #tpu.memory_space<hbm>> -> memref<78x128xi32, #tpu.memory_space<hbm>>
    %dma_wait3A_40 = arith.constant 0 : i32
    %dma_wait3A_41 = arith.constant 0 : i32
    %dma_wait3A_42 = tpu.memref_slice %arg9[%dma_wait3A_40, %dma_wait3A_41] : memref<79x128xi32, #tpu.memory_space<vmem>> -> memref<78x128xi32, #tpu.memory_space<vmem>>
    %dma_wait3A_43 = arith.constant 0 : i32
    %dma_wait3A_44 = tpu.memref_slice %arg3[%mul3A_4, %dma_wait3A_43] : memref<2500x128xi32, #tpu.memory_space<hbm>> -> memref<78x128xi32, #tpu.memory_space<hbm>>
    tpu.wait_dma2 semaphore(%arg13 : memref<!tpu.dma_semaphore, #tpu.memory_space<semaphore_mem>>) src(%dma_wait3A_44 : memref<78x128xi32, #tpu.memory_space<hbm>>) dst(%dma_wait3A_42 : memref<78x128xi32, #tpu.memory_space<vmem>>)
    %dma_wait3A_45 = arith.constant 0 : i32
    %dma_wait3A_46 = arith.constant 0 : i32
    %dma_wait3A_47 = tpu.memref_slice %arg10[%dma_wait3A_45, %dma_wait3A_46] : memref<79x128xi32, #tpu.memory_space<vmem>> -> memref<78x128xi32, #tpu.memory_space<vmem>>
    %dma_wait3A_48 = arith.constant 0 : i32
    %dma_wait3A_49 = tpu.memref_slice %arg4[%mul3A_15, %dma_wait3A_48] : memref<2500x128xi32, #tpu.memory_space<hbm>> -> memref<78x128xi32, #tpu.memory_space<hbm>>
    %dma_wait3A_50 = arith.constant 0 : i32
    %dma_wait3A_51 = arith.constant 0 : i32
    %dma_wait3A_52 = tpu.memref_slice %arg10[%dma_wait3A_50, %dma_wait3A_51] : memref<79x128xi32, #tpu.memory_space<vmem>> -> memref<78x128xi32, #tpu.memory_space<vmem>>
    %dma_wait3A_53 = arith.constant 0 : i32
    %dma_wait3A_54 = tpu.memref_slice %arg4[%mul3A_15, %dma_wait3A_53] : memref<2500x128xi32, #tpu.memory_space<hbm>> -> memref<78x128xi32, #tpu.memory_space<hbm>>
    tpu.wait_dma2 semaphore(%arg14 : memref<!tpu.dma_semaphore, #tpu.memory_space<semaphore_mem>>) src(%dma_wait3A_54 : memref<78x128xi32, #tpu.memory_space<hbm>>) dst(%dma_wait3A_52 : memref<78x128xi32, #tpu.memory_space<vmem>>)
    %dma_wait3A_55 = arith.constant 0 : i32
    %dma_wait3A_56 = tpu.memref_slice %arg7[%mul3A_2, %dma_wait3A_55] : memref<10240x32xf32, #tpu.memory_space<vmem_shared>> -> memref<640x32xf32, #tpu.memory_space<vmem_shared>>
    tpu.wait_dma2 semaphore(%arg15 : memref<!tpu.dma_semaphore, #tpu.memory_space<semaphore_mem>>) src(%arg5 : memref<640x32xf32, #tpu.memory_space<hbm>>) dst(%dma_wait3A_56 : memref<640x32xf32, #tpu.memory_space<vmem_shared>>)
    %dma_wait3A_57 = arith.constant 0 : i32
    %dma_wait3A_58 = tpu.memref_slice %arg8[%mul3A_31, %dma_wait3A_57] : memref<10000x32xf32, #tpu.memory_space<vmem_shared>> -> memref<625x32xf32, #tpu.memory_space<vmem_shared>>
    %dma_wait3A_59 = arith.constant 0 : i32
    %dma_wait3A_60 = tpu.memref_slice %arg2[%mul3A_29, %dma_wait3A_59] : memref<10000x32xf32, #tpu.memory_space<hbm>> -> memref<625x32xf32, #tpu.memory_space<hbm>>
    tpu.wait_dma2 semaphore(%arg16 : memref<!tpu.dma_semaphore, #tpu.memory_space<semaphore_mem>>) src(%dma_wait3A_60 : memref<625x32xf32, #tpu.memory_space<hbm>>) dst(%dma_wait3A_58 : memref<625x32xf32, #tpu.memory_space<vmem_shared>>)
    %lt3A = arith.constant 4 : i32
    %lt3A_61 = arith.cmpi slt, %add3A, %lt3A : i32
    %convert_element_type3A = arith.extui %lt3A_61 : i1 to i32
    %cond3A = arith.constant 0 : i32
    %cond3A_62 = arith.cmpi ne, %convert_element_type3A, %cond3A : i32
    scf.if %cond3A_62 {
      %add3A_81 = arith.constant 2496 : i32
      %add3A_82 = arith.addi %add3A_81, %add3A : i32
      "tpu.region"() ({
        %run_scoped3A = tpu.sem_alloc : memref<!tpu.dma_semaphore, #tpu.memory_space<semaphore_mem>>
        %dma_start3A_85 = arith.constant 78 : i32
        %dma_start3A_86 = arith.constant 0 : i32
        %dma_start3A_87 = tpu.memref_slice %arg9[%dma_start3A_85, %dma_start3A_86] : memref<79x128xi32, #tpu.memory_space<vmem>> -> memref<1x128xi32, #tpu.memory_space<vmem>>
        %dma_start3A_88 = arith.constant 0 : i32
        %dma_start3A_89 = tpu.memref_slice %arg3[%add3A_82, %dma_start3A_88] : memref<2500x128xi32, #tpu.memory_space<hbm>> -> memref<1x128xi32, #tpu.memory_space<hbm>>
        %dma_start3A_90 = arith.constant 78 : i32
        %dma_start3A_91 = arith.constant 0 : i32
        %dma_start3A_92 = tpu.memref_slice %arg9[%dma_start3A_90, %dma_start3A_91] : memref<79x128xi32, #tpu.memory_space<vmem>> -> memref<1x128xi32, #tpu.memory_space<vmem>>
        %dma_start3A_93 = arith.constant 0 : i32
        %dma_start3A_94 = tpu.memref_slice %arg3[%add3A_82, %dma_start3A_93] : memref<2500x128xi32, #tpu.memory_space<hbm>> -> memref<1x128xi32, #tpu.memory_space<hbm>>
        tpu.enqueue_dma source(%dma_start3A_94 : memref<1x128xi32, #tpu.memory_space<hbm>>) target(%dma_start3A_92 : memref<1x128xi32, #tpu.memory_space<vmem>>) target_semaphore(%run_scoped3A : memref<!tpu.dma_semaphore, #tpu.memory_space<semaphore_mem>>)
        %dma_wait3A_95 = arith.constant 78 : i32
        %dma_wait3A_96 = arith.constant 0 : i32
        %dma_wait3A_97 = tpu.memref_slice %arg9[%dma_wait3A_95, %dma_wait3A_96] : memref<79x128xi32, #tpu.memory_space<vmem>> -> memref<1x128xi32, #tpu.memory_space<vmem>>
        %dma_wait3A_98 = arith.constant 0 : i32
        %dma_wait3A_99 = tpu.memref_slice %arg3[%add3A_82, %dma_wait3A_98] : memref<2500x128xi32, #tpu.memory_space<hbm>> -> memref<1x128xi32, #tpu.memory_space<hbm>>
        %dma_wait3A_100 = arith.constant 78 : i32
        %dma_wait3A_101 = arith.constant 0 : i32
        %dma_wait3A_102 = tpu.memref_slice %arg9[%dma_wait3A_100, %dma_wait3A_101] : memref<79x128xi32, #tpu.memory_space<vmem>> -> memref<1x128xi32, #tpu.memory_space<vmem>>
        %dma_wait3A_103 = arith.constant 0 : i32
        %dma_wait3A_104 = tpu.memref_slice %arg3[%add3A_82, %dma_wait3A_103] : memref<2500x128xi32, #tpu.memory_space<hbm>> -> memref<1x128xi32, #tpu.memory_space<hbm>>
        tpu.wait_dma2 semaphore(%run_scoped3A : memref<!tpu.dma_semaphore, #tpu.memory_space<semaphore_mem>>) src(%dma_wait3A_104 : memref<1x128xi32, #tpu.memory_space<hbm>>) dst(%dma_wait3A_102 : memref<1x128xi32, #tpu.memory_space<vmem>>)
        tpu.yield
      }) : () -> ()
      %add3A_83 = arith.constant 2496 : i32
      %add3A_84 = arith.addi %add3A_83, %add3A : i32
      "tpu.region"() ({
        %run_scoped3A = tpu.sem_alloc : memref<!tpu.dma_semaphore, #tpu.memory_space<semaphore_mem>>
        %dma_start3A_85 = arith.constant 78 : i32
        %dma_start3A_86 = arith.constant 0 : i32
        %dma_start3A_87 = tpu.memref_slice %arg10[%dma_start3A_85, %dma_start3A_86] : memref<79x128xi32, #tpu.memory_space<vmem>> -> memref<1x128xi32, #tpu.memory_space<vmem>>
        %dma_start3A_88 = arith.constant 0 : i32
        %dma_start3A_89 = tpu.memref_slice %arg4[%add3A_84, %dma_start3A_88] : memref<2500x128xi32, #tpu.memory_space<hbm>> -> memref<1x128xi32, #tpu.memory_space<hbm>>
        %dma_start3A_90 = arith.constant 78 : i32
        %dma_start3A_91 = arith.constant 0 : i32
        %dma_start3A_92 = tpu.memref_slice %arg10[%dma_start3A_90, %dma_start3A_91] : memref<79x128xi32, #tpu.memory_space<vmem>> -> memref<1x128xi32, #tpu.memory_space<vmem>>
        %dma_start3A_93 = arith.constant 0 : i32
        %dma_start3A_94 = tpu.memref_slice %arg4[%add3A_84, %dma_start3A_93] : memref<2500x128xi32, #tpu.memory_space<hbm>> -> memref<1x128xi32, #tpu.memory_space<hbm>>
        tpu.enqueue_dma source(%dma_start3A_94 : memref<1x128xi32, #tpu.memory_space<hbm>>) target(%dma_start3A_92 : memref<1x128xi32, #tpu.memory_space<vmem>>) target_semaphore(%run_scoped3A : memref<!tpu.dma_semaphore, #tpu.memory_space<semaphore_mem>>)
        %dma_wait3A_95 = arith.constant 78 : i32
        %dma_wait3A_96 = arith.constant 0 : i32
        %dma_wait3A_97 = tpu.memref_slice %arg10[%dma_wait3A_95, %dma_wait3A_96] : memref<79x128xi32, #tpu.memory_space<vmem>> -> memref<1x128xi32, #tpu.memory_space<vmem>>
        %dma_wait3A_98 = arith.constant 0 : i32
        %dma_wait3A_99 = tpu.memref_slice %arg4[%add3A_84, %dma_wait3A_98] : memref<2500x128xi32, #tpu.memory_space<hbm>> -> memref<1x128xi32, #tpu.memory_space<hbm>>
        %dma_wait3A_100 = arith.constant 78 : i32
        %dma_wait3A_101 = arith.constant 0 : i32
        %dma_wait3A_102 = tpu.memref_slice %arg10[%dma_wait3A_100, %dma_wait3A_101] : memref<79x128xi32, #tpu.memory_space<vmem>> -> memref<1x128xi32, #tpu.memory_space<vmem>>
        %dma_wait3A_103 = arith.constant 0 : i32
        %dma_wait3A_104 = tpu.memref_slice %arg4[%add3A_84, %dma_wait3A_103] : memref<2500x128xi32, #tpu.memory_space<hbm>> -> memref<1x128xi32, #tpu.memory_space<hbm>>
        tpu.wait_dma2 semaphore(%run_scoped3A : memref<!tpu.dma_semaphore, #tpu.memory_space<semaphore_mem>>) src(%dma_wait3A_104 : memref<1x128xi32, #tpu.memory_space<hbm>>) dst(%dma_wait3A_102 : memref<1x128xi32, #tpu.memory_space<vmem>>)
        tpu.yield
      }) : () -> ()
    } else {
    }
    %barrier3A = arith.constant 0 : index
    tpu.barrier barrier_id(%barrier3A)
    %dma_start3A_63 = arith.constant 0 : i32
    %dma_start3A_64 = arith.constant 0 : i32
    %dma_start3A_65 = tpu.memref_slice %arg9[%dma_start3A_63, %dma_start3A_64] : memref<79x128xi32, #tpu.memory_space<vmem>> -> memref<1x128xi32, #tpu.memory_space<vmem>>
    %dma_start3A_66 = tpu.memref_squeeze %dma_start3A_65 : memref<1x128xi32, #tpu.memory_space<vmem>> -> memref<128xi32, #tpu.memory_space<vmem>>
    %dma_start3A_67 = arith.constant 0 : i32
    %dma_start3A_68 = arith.constant 0 : i32
    %dma_start3A_69 = tpu.memref_slice %arg8[%dma_start3A_67, %dma_start3A_68] : memref<10000x32xf32, #tpu.memory_space<vmem_shared>> -> memref<10000x32xf32, #tpu.memory_space<vmem_shared>>
    tpu.enqueue_indirect_dma source(%dma_start3A_69 : memref<10000x32xf32, #tpu.memory_space<vmem_shared>>) target(%arg11 : memref<128x32xf32, #tpu.memory_space<vmem>>) offsets(%dma_start3A_66 : memref<128xi32, #tpu.memory_space<vmem>>) semaphore(%arg13 : memref<!tpu.dma_semaphore, #tpu.memory_space<semaphore_mem>>)
    %scan3A = arith.constant 0 : i32
    %scan3A_70 = arith.constant 0 : i32
    %scan3A_71 = arith.constant 39 : i32
    %scan3A_72 = arith.addi %scan3A_70, %scan3A_71 : i32
    %scan3A_73 = arith.constant 1 : i32
    scf.for %scan3A_81 = %scan3A_70 to %scan3A_72 step %scan3A_73  : i32 {
      %mul3A_82 = arith.constant 2 : i32
      %mul3A_83 = arith.muli %mul3A_82, %scan3A_81 : i32
      %add3A_84 = arith.constant 1 : i32
      %add3A_85 = arith.addi %mul3A_83, %add3A_84 : i32
      %dma_start3A_86 = arith.constant 0 : i32
      %dma_start3A_87 = tpu.memref_slice %arg9[%add3A_85, %dma_start3A_86] : memref<79x128xi32, #tpu.memory_space<vmem>> -> memref<1x128xi32, #tpu.memory_space<vmem>>
      %dma_start3A_88 = tpu.memref_squeeze %dma_start3A_87 : memref<1x128xi32, #tpu.memory_space<vmem>> -> memref<128xi32, #tpu.memory_space<vmem>>
      %dma_start3A_89 = arith.constant 0 : i32
      %dma_start3A_90 = arith.constant 0 : i32
      %dma_start3A_91 = tpu.memref_slice %arg8[%dma_start3A_89, %dma_start3A_90] : memref<10000x32xf32, #tpu.memory_space<vmem_shared>> -> memref<10000x32xf32, #tpu.memory_space<vmem_shared>>
      tpu.enqueue_indirect_dma source(%dma_start3A_91 : memref<10000x32xf32, #tpu.memory_space<vmem_shared>>) target(%arg12 : memref<128x32xf32, #tpu.memory_space<vmem>>) offsets(%dma_start3A_88 : memref<128xi32, #tpu.memory_space<vmem>>) semaphore(%arg14 : memref<!tpu.dma_semaphore, #tpu.memory_space<semaphore_mem>>)
      %dma_wait3A_92 = arith.constant 0 : i32
      %dma_wait3A_93 = tpu.memref_slice %arg9[%mul3A_83, %dma_wait3A_92] : memref<79x128xi32, #tpu.memory_space<vmem>> -> memref<1x128xi32, #tpu.memory_space<vmem>>
      %dma_wait3A_94 = tpu.memref_squeeze %dma_wait3A_93 : memref<1x128xi32, #tpu.memory_space<vmem>> -> memref<128xi32, #tpu.memory_space<vmem>>
      %dma_wait3A_95 = arith.constant 0 : i32
      %dma_wait3A_96 = arith.constant 0 : i32
      %dma_wait3A_97 = tpu.memref_slice %arg8[%dma_wait3A_95, %dma_wait3A_96] : memref<10000x32xf32, #tpu.memory_space<vmem_shared>> -> memref<10000x32xf32, #tpu.memory_space<vmem_shared>>
      tpu.wait_indirect_dma semaphore(%arg13 : memref<!tpu.dma_semaphore, #tpu.memory_space<semaphore_mem>>) src(%dma_wait3A_97 : memref<10000x32xf32, #tpu.memory_space<vmem_shared>>) dst(%arg11 : memref<128x32xf32, #tpu.memory_space<vmem>>)
      "tpu.region"() ({
        %run_scoped3A = tpu.sem_alloc : memref<!tpu.dma_semaphore, #tpu.memory_space<semaphore_mem>>
        %dma_start3A_111 = arith.constant 0 : i32
        %dma_start3A_112 = tpu.memref_slice %arg10[%mul3A_83, %dma_start3A_111] : memref<79x128xi32, #tpu.memory_space<vmem>> -> memref<1x128xi32, #tpu.memory_space<vmem>>
        %dma_start3A_113 = tpu.memref_squeeze %dma_start3A_112 : memref<1x128xi32, #tpu.memory_space<vmem>> -> memref<128xi32, #tpu.memory_space<vmem>>
        %dma_start3A_114 = arith.constant 0 : i32
        %dma_start3A_115 = arith.constant 0 : i32
        %dma_start3A_116 = tpu.memref_slice %arg7[%dma_start3A_114, %dma_start3A_115] : memref<10240x32xf32, #tpu.memory_space<vmem_shared>> -> memref<10240x32xf32, #tpu.memory_space<vmem_shared>>
        tpu.enqueue_indirect_dma source(%arg11 : memref<128x32xf32, #tpu.memory_space<vmem>>) target(%dma_start3A_116 : memref<10240x32xf32, #tpu.memory_space<vmem_shared>>) offsets(%dma_start3A_113 : memref<128xi32, #tpu.memory_space<vmem>>) semaphore(%run_scoped3A : memref<!tpu.dma_semaphore, #tpu.memory_space<semaphore_mem>>) {add = true}
        %dma_wait3A_117 = arith.constant 0 : i32
        %dma_wait3A_118 = tpu.memref_slice %arg10[%mul3A_83, %dma_wait3A_117] : memref<79x128xi32, #tpu.memory_space<vmem>> -> memref<1x128xi32, #tpu.memory_space<vmem>>
        %dma_wait3A_119 = tpu.memref_squeeze %dma_wait3A_118 : memref<1x128xi32, #tpu.memory_space<vmem>> -> memref<128xi32, #tpu.memory_space<vmem>>
        %dma_wait3A_120 = arith.constant 0 : i32
        %dma_wait3A_121 = arith.constant 0 : i32
        %dma_wait3A_122 = tpu.memref_slice %arg7[%dma_wait3A_120, %dma_wait3A_121] : memref<10240x32xf32, #tpu.memory_space<vmem_shared>> -> memref<10240x32xf32, #tpu.memory_space<vmem_shared>>
        tpu.wait_indirect_dma semaphore(%run_scoped3A : memref<!tpu.dma_semaphore, #tpu.memory_space<semaphore_mem>>) src(%arg11 : memref<128x32xf32, #tpu.memory_space<vmem>>) dst(%dma_wait3A_122 : memref<10240x32xf32, #tpu.memory_space<vmem_shared>>)
        tpu.yield
      }) : () -> ()
      %add3A_98 = arith.constant 1 : i32
      %add3A_99 = arith.addi %add3A_85, %add3A_98 : i32
      %lt3A_100 = arith.constant 78 : i32
      %lt3A_101 = arith.cmpi slt, %add3A_99, %lt3A_100 : i32
      %convert_element_type3A_102 = arith.extui %lt3A_101 : i1 to i32
      %cond3A_103 = arith.constant 0 : i32
      %cond3A_104 = arith.cmpi ne, %convert_element_type3A_102, %cond3A_103 : i32
      scf.if %cond3A_104 {
        %add3A_111 = arith.constant 1 : i32
        %add3A_112 = arith.addi %add3A_85, %add3A_111 : i32
        %dma_start3A_113 = arith.constant 0 : i32
        %dma_start3A_114 = tpu.memref_slice %arg9[%add3A_112, %dma_start3A_113] : memref<79x128xi32, #tpu.memory_space<vmem>> -> memref<1x128xi32, #tpu.memory_space<vmem>>
        %dma_start3A_115 = tpu.memref_squeeze %dma_start3A_114 : memref<1x128xi32, #tpu.memory_space<vmem>> -> memref<128xi32, #tpu.memory_space<vmem>>
        %dma_start3A_116 = arith.constant 0 : i32
        %dma_start3A_117 = arith.constant 0 : i32
        %dma_start3A_118 = tpu.memref_slice %arg8[%dma_start3A_116, %dma_start3A_117] : memref<10000x32xf32, #tpu.memory_space<vmem_shared>> -> memref<10000x32xf32, #tpu.memory_space<vmem_shared>>
        tpu.enqueue_indirect_dma source(%dma_start3A_118 : memref<10000x32xf32, #tpu.memory_space<vmem_shared>>) target(%arg11 : memref<128x32xf32, #tpu.memory_space<vmem>>) offsets(%dma_start3A_115 : memref<128xi32, #tpu.memory_space<vmem>>) semaphore(%arg13 : memref<!tpu.dma_semaphore, #tpu.memory_space<semaphore_mem>>)
      } else {
      }
      %dma_wait3A_105 = arith.constant 0 : i32
      %dma_wait3A_106 = tpu.memref_slice %arg9[%add3A_85, %dma_wait3A_105] : memref<79x128xi32, #tpu.memory_space<vmem>> -> memref<1x128xi32, #tpu.memory_space<vmem>>
      %dma_wait3A_107 = tpu.memref_squeeze %dma_wait3A_106 : memref<1x128xi32, #tpu.memory_space<vmem>> -> memref<128xi32, #tpu.memory_space<vmem>>
      %dma_wait3A_108 = arith.constant 0 : i32
      %dma_wait3A_109 = arith.constant 0 : i32
      %dma_wait3A_110 = tpu.memref_slice %arg8[%dma_wait3A_108, %dma_wait3A_109] : memref<10000x32xf32, #tpu.memory_space<vmem_shared>> -> memref<10000x32xf32, #tpu.memory_space<vmem_shared>>
      tpu.wait_indirect_dma semaphore(%arg14 : memref<!tpu.dma_semaphore, #tpu.memory_space<semaphore_mem>>) src(%dma_wait3A_110 : memref<10000x32xf32, #tpu.memory_space<vmem_shared>>) dst(%arg12 : memref<128x32xf32, #tpu.memory_space<vmem>>)
      "tpu.region"() ({
        %run_scoped3A = tpu.sem_alloc : memref<!tpu.dma_semaphore, #tpu.memory_space<semaphore_mem>>
        %dma_start3A_111 = arith.constant 0 : i32
        %dma_start3A_112 = tpu.memref_slice %arg10[%add3A_85, %dma_start3A_111] : memref<79x128xi32, #tpu.memory_space<vmem>> -> memref<1x128xi32, #tpu.memory_space<vmem>>
        %dma_start3A_113 = tpu.memref_squeeze %dma_start3A_112 : memref<1x128xi32, #tpu.memory_space<vmem>> -> memref<128xi32, #tpu.memory_space<vmem>>
        %dma_start3A_114 = arith.constant 0 : i32
        %dma_start3A_115 = arith.constant 0 : i32
        %dma_start3A_116 = tpu.memref_slice %arg7[%dma_start3A_114, %dma_start3A_115] : memref<10240x32xf32, #tpu.memory_space<vmem_shared>> -> memref<10240x32xf32, #tpu.memory_space<vmem_shared>>
        tpu.enqueue_indirect_dma source(%arg12 : memref<128x32xf32, #tpu.memory_space<vmem>>) target(%dma_start3A_116 : memref<10240x32xf32, #tpu.memory_space<vmem_shared>>) offsets(%dma_start3A_113 : memref<128xi32, #tpu.memory_space<vmem>>) semaphore(%run_scoped3A : memref<!tpu.dma_semaphore, #tpu.memory_space<semaphore_mem>>) {add = true}
        %dma_wait3A_117 = arith.constant 0 : i32
        %dma_wait3A_118 = tpu.memref_slice %arg10[%add3A_85, %dma_wait3A_117] : memref<79x128xi32, #tpu.memory_space<vmem>> -> memref<1x128xi32, #tpu.memory_space<vmem>>
        %dma_wait3A_119 = tpu.memref_squeeze %dma_wait3A_118 : memref<1x128xi32, #tpu.memory_space<vmem>> -> memref<128xi32, #tpu.memory_space<vmem>>
        %dma_wait3A_120 = arith.constant 0 : i32
        %dma_wait3A_121 = arith.constant 0 : i32
        %dma_wait3A_122 = tpu.memref_slice %arg7[%dma_wait3A_120, %dma_wait3A_121] : memref<10240x32xf32, #tpu.memory_space<vmem_shared>> -> memref<10240x32xf32, #tpu.memory_space<vmem_shared>>
        tpu.wait_indirect_dma semaphore(%run_scoped3A : memref<!tpu.dma_semaphore, #tpu.memory_space<semaphore_mem>>) src(%arg12 : memref<128x32xf32, #tpu.memory_space<vmem>>) dst(%dma_wait3A_122 : memref<10240x32xf32, #tpu.memory_space<vmem_shared>>)
        tpu.yield
      }) : () -> ()
    }
    %scan3A_74 = arith.constant 39 : i32
    %lt3A_75 = arith.constant 4 : i32
    %lt3A_76 = arith.cmpi slt, %add3A, %lt3A_75 : i32
    %convert_element_type3A_77 = arith.extui %lt3A_76 : i1 to i32
    %cond3A_78 = arith.constant 0 : i32
    %cond3A_79 = arith.cmpi ne, %convert_element_type3A_77, %cond3A_78 : i32
    scf.if %cond3A_79 {
      %run_scoped3A = arith.constant 78 : i32
      "tpu.region"() ({
        %run_scoped3A_82 = tpu.sem_alloc : memref<!tpu.dma_semaphore, #tpu.memory_space<semaphore_mem>>
        %dma_start3A_83 = arith.constant 0 : i32
        %dma_start3A_84 = tpu.memref_slice %arg9[%run_scoped3A, %dma_start3A_83] : memref<79x128xi32, #tpu.memory_space<vmem>> -> memref<1x128xi32, #tpu.memory_space<vmem>>
        %dma_start3A_85 = tpu.memref_squeeze %dma_start3A_84 : memref<1x128xi32, #tpu.memory_space<vmem>> -> memref<128xi32, #tpu.memory_space<vmem>>
        %dma_start3A_86 = arith.constant 0 : i32
        %dma_start3A_87 = arith.constant 0 : i32
        %dma_start3A_88 = tpu.memref_slice %arg8[%dma_start3A_86, %dma_start3A_87] : memref<10000x32xf32, #tpu.memory_space<vmem_shared>> -> memref<10000x32xf32, #tpu.memory_space<vmem_shared>>
        tpu.enqueue_indirect_dma source(%dma_start3A_88 : memref<10000x32xf32, #tpu.memory_space<vmem_shared>>) target(%arg11 : memref<128x32xf32, #tpu.memory_space<vmem>>) offsets(%dma_start3A_85 : memref<128xi32, #tpu.memory_space<vmem>>) semaphore(%run_scoped3A_82 : memref<!tpu.dma_semaphore, #tpu.memory_space<semaphore_mem>>)
        %dma_wait3A_89 = arith.constant 0 : i32
        %dma_wait3A_90 = tpu.memref_slice %arg9[%run_scoped3A, %dma_wait3A_89] : memref<79x128xi32, #tpu.memory_space<vmem>> -> memref<1x128xi32, #tpu.memory_space<vmem>>
        %dma_wait3A_91 = tpu.memref_squeeze %dma_wait3A_90 : memref<1x128xi32, #tpu.memory_space<vmem>> -> memref<128xi32, #tpu.memory_space<vmem>>
        %dma_wait3A_92 = arith.constant 0 : i32
        %dma_wait3A_93 = arith.constant 0 : i32
        %dma_wait3A_94 = tpu.memref_slice %arg8[%dma_wait3A_92, %dma_wait3A_93] : memref<10000x32xf32, #tpu.memory_space<vmem_shared>> -> memref<10000x32xf32, #tpu.memory_space<vmem_shared>>
        tpu.wait_indirect_dma semaphore(%run_scoped3A_82 : memref<!tpu.dma_semaphore, #tpu.memory_space<semaphore_mem>>) src(%dma_wait3A_94 : memref<10000x32xf32, #tpu.memory_space<vmem_shared>>) dst(%arg11 : memref<128x32xf32, #tpu.memory_space<vmem>>)
        tpu.yield
      }) : () -> ()
      %run_scoped3A_81 = arith.constant 78 : i32
      "tpu.region"() ({
        %run_scoped3A_82 = tpu.sem_alloc : memref<!tpu.dma_semaphore, #tpu.memory_space<semaphore_mem>>
        %dma_start3A_83 = arith.constant 0 : i32
        %dma_start3A_84 = tpu.memref_slice %arg10[%run_scoped3A_81, %dma_start3A_83] : memref<79x128xi32, #tpu.memory_space<vmem>> -> memref<1x128xi32, #tpu.memory_space<vmem>>
        %dma_start3A_85 = tpu.memref_squeeze %dma_start3A_84 : memref<1x128xi32, #tpu.memory_space<vmem>> -> memref<128xi32, #tpu.memory_space<vmem>>
        %dma_start3A_86 = arith.constant 0 : i32
        %dma_start3A_87 = arith.constant 0 : i32
        %dma_start3A_88 = tpu.memref_slice %arg7[%dma_start3A_86, %dma_start3A_87] : memref<10240x32xf32, #tpu.memory_space<vmem_shared>> -> memref<10240x32xf32, #tpu.memory_space<vmem_shared>>
        tpu.enqueue_indirect_dma source(%arg11 : memref<128x32xf32, #tpu.memory_space<vmem>>) target(%dma_start3A_88 : memref<10240x32xf32, #tpu.memory_space<vmem_shared>>) offsets(%dma_start3A_85 : memref<128xi32, #tpu.memory_space<vmem>>) semaphore(%run_scoped3A_82 : memref<!tpu.dma_semaphore, #tpu.memory_space<semaphore_mem>>) {add = true}
        %dma_wait3A_89 = arith.constant 0 : i32
        %dma_wait3A_90 = tpu.memref_slice %arg10[%run_scoped3A_81, %dma_wait3A_89] : memref<79x128xi32, #tpu.memory_space<vmem>> -> memref<1x128xi32, #tpu.memory_space<vmem>>
        %dma_wait3A_91 = tpu.memref_squeeze %dma_wait3A_90 : memref<1x128xi32, #tpu.memory_space<vmem>> -> memref<128xi32, #tpu.memory_space<vmem>>
        %dma_wait3A_92 = arith.constant 0 : i32
        %dma_wait3A_93 = arith.constant 0 : i32
        %dma_wait3A_94 = tpu.memref_slice %arg7[%dma_wait3A_92, %dma_wait3A_93] : memref<10240x32xf32, #tpu.memory_space<vmem_shared>> -> memref<10240x32xf32, #tpu.memory_space<vmem_shared>>
        tpu.wait_indirect_dma semaphore(%run_scoped3A_82 : memref<!tpu.dma_semaphore, #tpu.memory_space<semaphore_mem>>) src(%arg11 : memref<128x32xf32, #tpu.memory_space<vmem>>) dst(%dma_wait3A_94 : memref<10240x32xf32, #tpu.memory_space<vmem_shared>>)
        tpu.yield
      }) : () -> ()
    } else {
    }
    %barrier3A_80 = arith.constant 0 : index
    tpu.barrier barrier_id(%barrier3A_80)
    "tpu.region"() ({
      %run_scoped3A = tpu.sem_alloc : memref<!tpu.dma_semaphore, #tpu.memory_space<semaphore_mem>>
      %dma_start3A_81 = arith.constant 0 : i32
      %dma_start3A_82 = tpu.memref_slice %arg6[%arg0, %mul3A_2, %dma_start3A_81] : memref<2x10240x32xf32, #tpu.memory_space<hbm>> -> memref<1x640x32xf32, #tpu.memory_space<hbm>>
      %dma_start3A_83 = tpu.memref_squeeze %dma_start3A_82 : memref<1x640x32xf32, #tpu.memory_space<hbm>> -> memref<640x32xf32, #tpu.memory_space<hbm>>
      %dma_start3A_84 = arith.constant 0 : i32
      %dma_start3A_85 = tpu.memref_slice %arg7[%mul3A_2, %dma_start3A_84] : memref<10240x32xf32, #tpu.memory_space<vmem_shared>> -> memref<640x32xf32, #tpu.memory_space<vmem_shared>>
      tpu.enqueue_dma source(%dma_start3A_85 : memref<640x32xf32, #tpu.memory_space<vmem_shared>>) target(%dma_start3A_83 : memref<640x32xf32, #tpu.memory_space<hbm>>) target_semaphore(%run_scoped3A : memref<!tpu.dma_semaphore, #tpu.memory_space<semaphore_mem>>)
      %dma_wait3A_86 = arith.constant 0 : i32
      %dma_wait3A_87 = tpu.memref_slice %arg6[%arg0, %mul3A_2, %dma_wait3A_86] : memref<2x10240x32xf32, #tpu.memory_space<hbm>> -> memref<1x640x32xf32, #tpu.memory_space<hbm>>
      %dma_wait3A_88 = tpu.memref_squeeze %dma_wait3A_87 : memref<1x640x32xf32, #tpu.memory_space<hbm>> -> memref<640x32xf32, #tpu.memory_space<hbm>>
      %dma_wait3A_89 = arith.constant 0 : i32
      %dma_wait3A_90 = tpu.memref_slice %arg7[%mul3A_2, %dma_wait3A_89] : memref<10240x32xf32, #tpu.memory_space<vmem_shared>> -> memref<640x32xf32, #tpu.memory_space<vmem_shared>>
      tpu.wait_dma2 semaphore(%run_scoped3A : memref<!tpu.dma_semaphore, #tpu.memory_space<semaphore_mem>>) src(%dma_wait3A_90 : memref<640x32xf32, #tpu.memory_space<vmem_shared>>) dst(%dma_wait3A_88 : memref<640x32xf32, #tpu.memory_space<hbm>>)
      tpu.yield
    }) : () -> ()
    return
  }
}

#map = affine_map<(d0, d1) -> (0, 0)>
#map1 = affine_map<(d0, d1) -> (0, 0, 0)>
module attributes {stable_mosaic.version = 14 : i64} {
  func.func @_sc_deg_body(%arg0: i32, %arg1: i32, %arg2: memref<2500x128xi32, #tpu.memory_space<hbm>>, %arg3: memref<128x8xf32, #tpu.memory_space<hbm>>, %arg4: memref<640x8xf32, #tpu.memory_space<hbm>>, %arg5: memref<2x10240x8xf32, #tpu.memory_space<hbm>>, %arg6: memref<10240x8xf32, #tpu.memory_space<vmem_shared>>, %arg7: memref<79x128xi32, #tpu.memory_space<vmem>>, %arg8: memref<128x8xf32, #tpu.memory_space<vmem>>) attributes {dimension_semantics = [#tpu.dimension_semantics<core_parallel>, #tpu.dimension_semantics<subcore_parallel>], iteration_bounds = array<i64: 2, 16>, scalar_prefetch = 0 : i64, scratch_operands = 3 : i64, tpu.core_type = #tpu.core_type<sc_vector_subcore>, window_params = [{transform_indices = #map}, {transform_indices = #map}, {transform_indices = #map}, {transform_indices = #map1}]} {
    %mul3A = arith.constant 16 : i32
    %mul3A_0 = arith.muli %arg0, %mul3A : i32
    %add3A = arith.addi %mul3A_0, %arg1 : i32
    %mul3A_1 = arith.constant 640 : i32
    %mul3A_2 = arith.muli %arg1, %mul3A_1 : i32
    %mul3A_3 = arith.constant 78 : i32
    %mul3A_4 = arith.muli %add3A, %mul3A_3 : i32
    "tpu.region"() ({
      %run_scoped3A = tpu.sem_alloc : memref<!tpu.dma_semaphore, #tpu.memory_space<semaphore_mem>>
      %dma_start3A = arith.constant 0 : i32
      %dma_start3A_18 = arith.constant 0 : i32
      %dma_start3A_19 = tpu.memref_slice %arg7[%dma_start3A, %dma_start3A_18] : memref<79x128xi32, #tpu.memory_space<vmem>> -> memref<78x128xi32, #tpu.memory_space<vmem>>
      %dma_start3A_20 = arith.constant 0 : i32
      %dma_start3A_21 = tpu.memref_slice %arg2[%mul3A_4, %dma_start3A_20] : memref<2500x128xi32, #tpu.memory_space<hbm>> -> memref<78x128xi32, #tpu.memory_space<hbm>>
      %dma_start3A_22 = arith.constant 0 : i32
      %dma_start3A_23 = arith.constant 0 : i32
      %dma_start3A_24 = tpu.memref_slice %arg7[%dma_start3A_22, %dma_start3A_23] : memref<79x128xi32, #tpu.memory_space<vmem>> -> memref<78x128xi32, #tpu.memory_space<vmem>>
      %dma_start3A_25 = arith.constant 0 : i32
      %dma_start3A_26 = tpu.memref_slice %arg2[%mul3A_4, %dma_start3A_25] : memref<2500x128xi32, #tpu.memory_space<hbm>> -> memref<78x128xi32, #tpu.memory_space<hbm>>
      tpu.enqueue_dma source(%dma_start3A_26 : memref<78x128xi32, #tpu.memory_space<hbm>>) target(%dma_start3A_24 : memref<78x128xi32, #tpu.memory_space<vmem>>) target_semaphore(%run_scoped3A : memref<!tpu.dma_semaphore, #tpu.memory_space<semaphore_mem>>)
      %dma_wait3A = arith.constant 0 : i32
      %dma_wait3A_27 = arith.constant 0 : i32
      %dma_wait3A_28 = tpu.memref_slice %arg7[%dma_wait3A, %dma_wait3A_27] : memref<79x128xi32, #tpu.memory_space<vmem>> -> memref<78x128xi32, #tpu.memory_space<vmem>>
      %dma_wait3A_29 = arith.constant 0 : i32
      %dma_wait3A_30 = tpu.memref_slice %arg2[%mul3A_4, %dma_wait3A_29] : memref<2500x128xi32, #tpu.memory_space<hbm>> -> memref<78x128xi32, #tpu.memory_space<hbm>>
      %dma_wait3A_31 = arith.constant 0 : i32
      %dma_wait3A_32 = arith.constant 0 : i32
      %dma_wait3A_33 = tpu.memref_slice %arg7[%dma_wait3A_31, %dma_wait3A_32] : memref<79x128xi32, #tpu.memory_space<vmem>> -> memref<78x128xi32, #tpu.memory_space<vmem>>
      %dma_wait3A_34 = arith.constant 0 : i32
      %dma_wait3A_35 = tpu.memref_slice %arg2[%mul3A_4, %dma_wait3A_34] : memref<2500x128xi32, #tpu.memory_space<hbm>> -> memref<78x128xi32, #tpu.memory_space<hbm>>
      tpu.wait_dma2 semaphore(%run_scoped3A : memref<!tpu.dma_semaphore, #tpu.memory_space<semaphore_mem>>) src(%dma_wait3A_35 : memref<78x128xi32, #tpu.memory_space<hbm>>) dst(%dma_wait3A_33 : memref<78x128xi32, #tpu.memory_space<vmem>>)
      tpu.yield
    }) : () -> ()
    "tpu.region"() ({
      %run_scoped3A = tpu.sem_alloc : memref<!tpu.dma_semaphore, #tpu.memory_space<semaphore_mem>>
      tpu.enqueue_dma source(%arg3 : memref<128x8xf32, #tpu.memory_space<hbm>>) target(%arg8 : memref<128x8xf32, #tpu.memory_space<vmem>>) target_semaphore(%run_scoped3A : memref<!tpu.dma_semaphore, #tpu.memory_space<semaphore_mem>>)
      tpu.wait_dma2 semaphore(%run_scoped3A : memref<!tpu.dma_semaphore, #tpu.memory_space<semaphore_mem>>) src(%arg3 : memref<128x8xf32, #tpu.memory_space<hbm>>) dst(%arg8 : memref<128x8xf32, #tpu.memory_space<vmem>>)
      tpu.yield
    }) : () -> ()
    "tpu.region"() ({
      %run_scoped3A = tpu.sem_alloc : memref<!tpu.dma_semaphore, #tpu.memory_space<semaphore_mem>>
      %dma_start3A = arith.constant 0 : i32
      %dma_start3A_18 = tpu.memref_slice %arg6[%mul3A_2, %dma_start3A] : memref<10240x8xf32, #tpu.memory_space<vmem_shared>> -> memref<640x8xf32, #tpu.memory_space<vmem_shared>>
      tpu.enqueue_dma source(%arg4 : memref<640x8xf32, #tpu.memory_space<hbm>>) target(%dma_start3A_18 : memref<640x8xf32, #tpu.memory_space<vmem_shared>>) target_semaphore(%run_scoped3A : memref<!tpu.dma_semaphore, #tpu.memory_space<semaphore_mem>>)
      %dma_wait3A = arith.constant 0 : i32
      %dma_wait3A_19 = tpu.memref_slice %arg6[%mul3A_2, %dma_wait3A] : memref<10240x8xf32, #tpu.memory_space<vmem_shared>> -> memref<640x8xf32, #tpu.memory_space<vmem_shared>>
      tpu.wait_dma2 semaphore(%run_scoped3A : memref<!tpu.dma_semaphore, #tpu.memory_space<semaphore_mem>>) src(%arg4 : memref<640x8xf32, #tpu.memory_space<hbm>>) dst(%dma_wait3A_19 : memref<640x8xf32, #tpu.memory_space<vmem_shared>>)
      tpu.yield
    }) : () -> ()
    %lt3A = arith.constant 4 : i32
    %lt3A_5 = arith.cmpi slt, %add3A, %lt3A : i32
    %convert_element_type3A = arith.extui %lt3A_5 : i1 to i32
    %cond3A = arith.constant 0 : i32
    %cond3A_6 = arith.cmpi ne, %convert_element_type3A, %cond3A : i32
    scf.if %cond3A_6 {
      %add3A_18 = arith.constant 2496 : i32
      %add3A_19 = arith.addi %add3A_18, %add3A : i32
      "tpu.region"() ({
        %run_scoped3A = tpu.sem_alloc : memref<!tpu.dma_semaphore, #tpu.memory_space<semaphore_mem>>
        %dma_start3A = arith.constant 78 : i32
        %dma_start3A_20 = arith.constant 0 : i32
        %dma_start3A_21 = tpu.memref_slice %arg7[%dma_start3A, %dma_start3A_20] : memref<79x128xi32, #tpu.memory_space<vmem>> -> memref<1x128xi32, #tpu.memory_space<vmem>>
        %dma_start3A_22 = arith.constant 0 : i32
        %dma_start3A_23 = tpu.memref_slice %arg2[%add3A_19, %dma_start3A_22] : memref<2500x128xi32, #tpu.memory_space<hbm>> -> memref<1x128xi32, #tpu.memory_space<hbm>>
        %dma_start3A_24 = arith.constant 78 : i32
        %dma_start3A_25 = arith.constant 0 : i32
        %dma_start3A_26 = tpu.memref_slice %arg7[%dma_start3A_24, %dma_start3A_25] : memref<79x128xi32, #tpu.memory_space<vmem>> -> memref<1x128xi32, #tpu.memory_space<vmem>>
        %dma_start3A_27 = arith.constant 0 : i32
        %dma_start3A_28 = tpu.memref_slice %arg2[%add3A_19, %dma_start3A_27] : memref<2500x128xi32, #tpu.memory_space<hbm>> -> memref<1x128xi32, #tpu.memory_space<hbm>>
        tpu.enqueue_dma source(%dma_start3A_28 : memref<1x128xi32, #tpu.memory_space<hbm>>) target(%dma_start3A_26 : memref<1x128xi32, #tpu.memory_space<vmem>>) target_semaphore(%run_scoped3A : memref<!tpu.dma_semaphore, #tpu.memory_space<semaphore_mem>>)
        %dma_wait3A = arith.constant 78 : i32
        %dma_wait3A_29 = arith.constant 0 : i32
        %dma_wait3A_30 = tpu.memref_slice %arg7[%dma_wait3A, %dma_wait3A_29] : memref<79x128xi32, #tpu.memory_space<vmem>> -> memref<1x128xi32, #tpu.memory_space<vmem>>
        %dma_wait3A_31 = arith.constant 0 : i32
        %dma_wait3A_32 = tpu.memref_slice %arg2[%add3A_19, %dma_wait3A_31] : memref<2500x128xi32, #tpu.memory_space<hbm>> -> memref<1x128xi32, #tpu.memory_space<hbm>>
        %dma_wait3A_33 = arith.constant 78 : i32
        %dma_wait3A_34 = arith.constant 0 : i32
        %dma_wait3A_35 = tpu.memref_slice %arg7[%dma_wait3A_33, %dma_wait3A_34] : memref<79x128xi32, #tpu.memory_space<vmem>> -> memref<1x128xi32, #tpu.memory_space<vmem>>
        %dma_wait3A_36 = arith.constant 0 : i32
        %dma_wait3A_37 = tpu.memref_slice %arg2[%add3A_19, %dma_wait3A_36] : memref<2500x128xi32, #tpu.memory_space<hbm>> -> memref<1x128xi32, #tpu.memory_space<hbm>>
        tpu.wait_dma2 semaphore(%run_scoped3A : memref<!tpu.dma_semaphore, #tpu.memory_space<semaphore_mem>>) src(%dma_wait3A_37 : memref<1x128xi32, #tpu.memory_space<hbm>>) dst(%dma_wait3A_35 : memref<1x128xi32, #tpu.memory_space<vmem>>)
        tpu.yield
      }) : () -> ()
    } else {
    }
    %barrier3A = arith.constant 0 : index
    tpu.barrier barrier_id(%barrier3A)
    %scan3A = arith.constant 0 : i32
    %scan3A_7 = arith.constant 0 : i32
    %scan3A_8 = arith.constant 78 : i32
    %scan3A_9 = arith.addi %scan3A_7, %scan3A_8 : i32
    %scan3A_10 = arith.constant 1 : i32
    scf.for %scan3A_18 = %scan3A_7 to %scan3A_9 step %scan3A_10  : i32 {
      "tpu.region"() ({
        %run_scoped3A = tpu.sem_alloc : memref<!tpu.dma_semaphore, #tpu.memory_space<semaphore_mem>>
        %dma_start3A = arith.constant 0 : i32
        %dma_start3A_19 = tpu.memref_slice %arg7[%scan3A_18, %dma_start3A] : memref<79x128xi32, #tpu.memory_space<vmem>> -> memref<1x128xi32, #tpu.memory_space<vmem>>
        %dma_start3A_20 = tpu.memref_squeeze %dma_start3A_19 : memref<1x128xi32, #tpu.memory_space<vmem>> -> memref<128xi32, #tpu.memory_space<vmem>>
        %dma_start3A_21 = arith.constant 0 : i32
        %dma_start3A_22 = arith.constant 0 : i32
        %dma_start3A_23 = tpu.memref_slice %arg6[%dma_start3A_21, %dma_start3A_22] : memref<10240x8xf32, #tpu.memory_space<vmem_shared>> -> memref<10240x8xf32, #tpu.memory_space<vmem_shared>>
        tpu.enqueue_indirect_dma source(%arg8 : memref<128x8xf32, #tpu.memory_space<vmem>>) target(%dma_start3A_23 : memref<10240x8xf32, #tpu.memory_space<vmem_shared>>) offsets(%dma_start3A_20 : memref<128xi32, #tpu.memory_space<vmem>>) semaphore(%run_scoped3A : memref<!tpu.dma_semaphore, #tpu.memory_space<semaphore_mem>>) {add = true}
        %dma_wait3A = arith.constant 0 : i32
        %dma_wait3A_24 = tpu.memref_slice %arg7[%scan3A_18, %dma_wait3A] : memref<79x128xi32, #tpu.memory_space<vmem>> -> memref<1x128xi32, #tpu.memory_space<vmem>>
        %dma_wait3A_25 = tpu.memref_squeeze %dma_wait3A_24 : memref<1x128xi32, #tpu.memory_space<vmem>> -> memref<128xi32, #tpu.memory_space<vmem>>
        %dma_wait3A_26 = arith.constant 0 : i32
        %dma_wait3A_27 = arith.constant 0 : i32
        %dma_wait3A_28 = tpu.memref_slice %arg6[%dma_wait3A_26, %dma_wait3A_27] : memref<10240x8xf32, #tpu.memory_space<vmem_shared>> -> memref<10240x8xf32, #tpu.memory_space<vmem_shared>>
        tpu.wait_indirect_dma semaphore(%run_scoped3A : memref<!tpu.dma_semaphore, #tpu.memory_space<semaphore_mem>>) src(%arg8 : memref<128x8xf32, #tpu.memory_space<vmem>>) dst(%dma_wait3A_28 : memref<10240x8xf32, #tpu.memory_space<vmem_shared>>)
        tpu.yield
      }) : () -> ()
    }
    %scan3A_11 = arith.constant 78 : i32
    %lt3A_12 = arith.constant 4 : i32
    %lt3A_13 = arith.cmpi slt, %add3A, %lt3A_12 : i32
    %convert_element_type3A_14 = arith.extui %lt3A_13 : i1 to i32
    %cond3A_15 = arith.constant 0 : i32
    %cond3A_16 = arith.cmpi ne, %convert_element_type3A_14, %cond3A_15 : i32
    scf.if %cond3A_16 {
      %run_scoped3A = arith.constant 78 : i32
      "tpu.region"() ({
        %run_scoped3A_18 = tpu.sem_alloc : memref<!tpu.dma_semaphore, #tpu.memory_space<semaphore_mem>>
        %dma_start3A = arith.constant 0 : i32
        %dma_start3A_19 = tpu.memref_slice %arg7[%run_scoped3A, %dma_start3A] : memref<79x128xi32, #tpu.memory_space<vmem>> -> memref<1x128xi32, #tpu.memory_space<vmem>>
        %dma_start3A_20 = tpu.memref_squeeze %dma_start3A_19 : memref<1x128xi32, #tpu.memory_space<vmem>> -> memref<128xi32, #tpu.memory_space<vmem>>
        %dma_start3A_21 = arith.constant 0 : i32
        %dma_start3A_22 = arith.constant 0 : i32
        %dma_start3A_23 = tpu.memref_slice %arg6[%dma_start3A_21, %dma_start3A_22] : memref<10240x8xf32, #tpu.memory_space<vmem_shared>> -> memref<10240x8xf32, #tpu.memory_space<vmem_shared>>
        tpu.enqueue_indirect_dma source(%arg8 : memref<128x8xf32, #tpu.memory_space<vmem>>) target(%dma_start3A_23 : memref<10240x8xf32, #tpu.memory_space<vmem_shared>>) offsets(%dma_start3A_20 : memref<128xi32, #tpu.memory_space<vmem>>) semaphore(%run_scoped3A_18 : memref<!tpu.dma_semaphore, #tpu.memory_space<semaphore_mem>>) {add = true}
        %dma_wait3A = arith.constant 0 : i32
        %dma_wait3A_24 = tpu.memref_slice %arg7[%run_scoped3A, %dma_wait3A] : memref<79x128xi32, #tpu.memory_space<vmem>> -> memref<1x128xi32, #tpu.memory_space<vmem>>
        %dma_wait3A_25 = tpu.memref_squeeze %dma_wait3A_24 : memref<1x128xi32, #tpu.memory_space<vmem>> -> memref<128xi32, #tpu.memory_space<vmem>>
        %dma_wait3A_26 = arith.constant 0 : i32
        %dma_wait3A_27 = arith.constant 0 : i32
        %dma_wait3A_28 = tpu.memref_slice %arg6[%dma_wait3A_26, %dma_wait3A_27] : memref<10240x8xf32, #tpu.memory_space<vmem_shared>> -> memref<10240x8xf32, #tpu.memory_space<vmem_shared>>
        tpu.wait_indirect_dma semaphore(%run_scoped3A_18 : memref<!tpu.dma_semaphore, #tpu.memory_space<semaphore_mem>>) src(%arg8 : memref<128x8xf32, #tpu.memory_space<vmem>>) dst(%dma_wait3A_28 : memref<10240x8xf32, #tpu.memory_space<vmem_shared>>)
        tpu.yield
      }) : () -> ()
    } else {
    }
    %barrier3A_17 = arith.constant 0 : index
    tpu.barrier barrier_id(%barrier3A_17)
    "tpu.region"() ({
      %run_scoped3A = tpu.sem_alloc : memref<!tpu.dma_semaphore, #tpu.memory_space<semaphore_mem>>
      %dma_start3A = arith.constant 0 : i32
      %dma_start3A_18 = tpu.memref_slice %arg5[%arg0, %mul3A_2, %dma_start3A] : memref<2x10240x8xf32, #tpu.memory_space<hbm>> -> memref<1x640x8xf32, #tpu.memory_space<hbm>>
      %dma_start3A_19 = tpu.memref_squeeze %dma_start3A_18 : memref<1x640x8xf32, #tpu.memory_space<hbm>> -> memref<640x8xf32, #tpu.memory_space<hbm>>
      %dma_start3A_20 = arith.constant 0 : i32
      %dma_start3A_21 = tpu.memref_slice %arg6[%mul3A_2, %dma_start3A_20] : memref<10240x8xf32, #tpu.memory_space<vmem_shared>> -> memref<640x8xf32, #tpu.memory_space<vmem_shared>>
      tpu.enqueue_dma source(%dma_start3A_21 : memref<640x8xf32, #tpu.memory_space<vmem_shared>>) target(%dma_start3A_19 : memref<640x8xf32, #tpu.memory_space<hbm>>) target_semaphore(%run_scoped3A : memref<!tpu.dma_semaphore, #tpu.memory_space<semaphore_mem>>)
      %dma_wait3A = arith.constant 0 : i32
      %dma_wait3A_22 = tpu.memref_slice %arg5[%arg0, %mul3A_2, %dma_wait3A] : memref<2x10240x8xf32, #tpu.memory_space<hbm>> -> memref<1x640x8xf32, #tpu.memory_space<hbm>>
      %dma_wait3A_23 = tpu.memref_squeeze %dma_wait3A_22 : memref<1x640x8xf32, #tpu.memory_space<hbm>> -> memref<640x8xf32, #tpu.memory_space<hbm>>
      %dma_wait3A_24 = arith.constant 0 : i32
      %dma_wait3A_25 = tpu.memref_slice %arg6[%mul3A_2, %dma_wait3A_24] : memref<10240x8xf32, #tpu.memory_space<vmem_shared>> -> memref<640x8xf32, #tpu.memory_space<vmem_shared>>
      tpu.wait_dma2 semaphore(%run_scoped3A : memref<!tpu.dma_semaphore, #tpu.memory_space<semaphore_mem>>) src(%dma_wait3A_25 : memref<640x8xf32, #tpu.memory_space<vmem_shared>>) dst(%dma_wait3A_23 : memref<640x8xf32, #tpu.memory_space<hbm>>)
      tpu.yield
    }) : () -> ()
    return
  }
}

module attributes {stable_mosaic.version = 14 : i64} {
  func.func @_tc_mm_body(%arg0: i32, %arg1: memref<1000x128xf32, #tpu.memory_space<vmem>>, %arg2: memref<128x32xf32, #tpu.memory_space<vmem>>, %arg3: memref<1000x32xf32, #tpu.memory_space<vmem>>) attributes {dimension_semantics = [#tpu.dimension_semantics<arbitrary>], iteration_bounds = array<i64: 10>, scalar_prefetch = 0 : i64, scratch_operands = 0 : i64, tpu.core_type = #tpu.core_type<tc>, window_params = [{transform_indices = @transform_0, window_bounds = array<i64: 1000, 128>}, {pipeline_mode = #tpu.pipeline_mode<synchronous>, transform_indices = @transform_1, window_bounds = array<i64: 128, 32>}, {transform_indices = @transform_2, window_bounds = array<i64: 1000, 32>}]} {
    %get3A = arith.constant 0 : index
    %get3A_0 = arith.constant 0 : index
    %get3A_1 = vector.load %arg1[%get3A, %get3A_0] : memref<1000x128xf32, #tpu.memory_space<vmem>>, vector<1000x128xf32>
    %get3A_2 = arith.constant 0 : index
    %get3A_3 = arith.constant 0 : index
    %get3A_4 = vector.load %arg2[%get3A_2, %get3A_3] : memref<128x32xf32, #tpu.memory_space<vmem>>, vector<128x32xf32>
    %dot_general3A = arith.constant dense<0.000000e+00> : vector<1000x32xf32>
    %dot_general3A_5 = tpu.matmul %get3A_1, %get3A_4, %dot_general3A {dimension_numbers = #tpu.dot_dimension_numbers<[1], [0], [0], [1], [0, 0, 1, 1], [], []>, transpose_lhs_hint = false} : vector<1000x128xf32>, vector<128x32xf32>, vector<1000x32xf32> -> vector<1000x32xf32>
    %swap3A = arith.constant 0 : index
    %swap3A_6 = arith.constant 0 : index
    %swap3A_7 = vector.load %arg3[%swap3A, %swap3A_6] : memref<1000x32xf32, #tpu.memory_space<vmem>>, vector<1000x32xf32>
    tpu.vector_store %arg3[%swap3A, %swap3A_6], %dot_general3A_5 {strides = array<i32>} : memref<1000x32xf32, #tpu.memory_space<vmem>>, vector<1000x32xf32>,
    return
  }
  func.func @transform_0(%arg0: i32) -> (i32, i32) {
    %c0_i32 = arith.constant 0 : i32
    %c0_i32_0 = arith.constant 0 : i32
    return %arg0, %c0_i32 : i32, i32
  }
  func.func @transform_1(%arg0: i32) -> (i32, i32) {
    %c0_i32 = arith.constant 0 : i32
    %c0_i32_0 = arith.constant 0 : i32
    %c0_i32_1 = arith.constant 0 : i32
    return %c0_i32, %c0_i32_0 : i32, i32
  }
  func.func @transform_2(%arg0: i32) -> (i32, i32) {
    %c0_i32 = arith.constant 0 : i32
    %c0_i32_0 = arith.constant 0 : i32
    return %arg0, %c0_i32 : i32, i32
  }
}

module attributes {stable_mosaic.version = 14 : i64} {
  func.func @_tc_scale_body(%arg0: i32, %arg1: memref<1000x32xf32, #tpu.memory_space<vmem>>, %arg2: memref<2x1000x8xf32, #tpu.memory_space<vmem>>, %arg3: memref<1000x32xf32, #tpu.memory_space<vmem>>) attributes {dimension_semantics = [#tpu.dimension_semantics<arbitrary>], iteration_bounds = array<i64: 10>, scalar_prefetch = 0 : i64, scratch_operands = 0 : i64, tpu.core_type = #tpu.core_type<tc>, window_params = [{transform_indices = @transform_0, window_bounds = array<i64: 1000, 32>}, {transform_indices = @transform_1, window_bounds = array<i64: 2, 1000, 8>}, {transform_indices = @transform_2, window_bounds = array<i64: 1000, 32>}]} {
    %get3A = arith.constant 0 : index
    %get3A_0 = arith.constant 0 : index
    %get3A_1 = vector.load %arg1[%get3A, %get3A_0] : memref<1000x32xf32, #tpu.memory_space<vmem>>, vector<1000x32xf32>
    %get3A_2 = arith.constant 0 : index
    %get3A_3 = arith.constant 0 : index
    %get3A_4 = arith.constant 0 : index
    %get3A_5 = vector.load %arg2[%get3A_2, %get3A_3, %get3A_4] : memref<2x1000x8xf32, #tpu.memory_space<vmem>>, vector<1x1000x1xf32>
    %get3A_6 = vector.shape_cast %get3A_5 : vector<1x1000x1xf32> to vector<1000x1xf32>
    %get3A_7 = arith.constant 1 : index
    %get3A_8 = arith.constant 0 : index
    %get3A_9 = arith.constant 0 : index
    %get3A_10 = vector.load %arg2[%get3A_7, %get3A_8, %get3A_9] : memref<2x1000x8xf32, #tpu.memory_space<vmem>>, vector<1x1000x1xf32>
    %get3A_11 = vector.shape_cast %get3A_10 : vector<1x1000x1xf32> to vector<1000x1xf32>
    %add3A = arith.addf %get3A_6, %get3A_11 : vector<1000x1xf32>
    %add3A_12 = arith.constant 1.000000e+00 : f32
    %add3A_13 = vector.broadcast %add3A_12 : f32 to vector<1000x1xf32>
    %add3A_14 = arith.addf %add3A, %add3A_13 : vector<1000x1xf32>
    %rsqrt3A = math.rsqrt %add3A_14 : vector<1000x1xf32>
    %mul3A = vector.broadcast %rsqrt3A : vector<1000x1xf32> to vector<1000x32xf32>
    %mul3A_15 = arith.mulf %get3A_1, %mul3A : vector<1000x32xf32>
    %swap3A = arith.constant 0 : index
    %swap3A_16 = arith.constant 0 : index
    %swap3A_17 = vector.load %arg3[%swap3A, %swap3A_16] : memref<1000x32xf32, #tpu.memory_space<vmem>>, vector<1000x32xf32>
    tpu.vector_store %arg3[%swap3A, %swap3A_16], %mul3A_15 {strides = array<i32>} : memref<1000x32xf32, #tpu.memory_space<vmem>>, vector<1000x32xf32>,
    return
  }
  func.func @transform_0(%arg0: i32) -> (i32, i32) {
    %c0_i32 = arith.constant 0 : i32
    %c0_i32_0 = arith.constant 0 : i32
    return %arg0, %c0_i32 : i32, i32
  }
  func.func @transform_1(%arg0: i32) -> (i32, i32, i32) {
    %c0_i32 = arith.constant 0 : i32
    %c0_i32_0 = arith.constant 0 : i32
    %c0_i32_1 = arith.constant 0 : i32
    return %c0_i32, %arg0, %c0_i32_0 : i32, i32, i32
  }
  func.func @transform_2(%arg0: i32) -> (i32, i32) {
    %c0_i32 = arith.constant 0 : i32
    %c0_i32_0 = arith.constant 0 : i32
    return %arg0, %c0_i32 : i32, i32
  }
}

module attributes {stable_mosaic.version = 14 : i64} {
  func.func @_tc2_body(%arg0: i32, %arg1: memref<2x1000x32xf32, #tpu.memory_space<vmem>>, %arg2: memref<1000x32xf32, #tpu.memory_space<vmem>>, %arg3: memref<2x1000x8xf32, #tpu.memory_space<vmem>>, %arg4: memref<1x32xf32, #tpu.memory_space<vmem>>, %arg5: memref<32x32xf32, #tpu.memory_space<vmem>>, %arg6: memref<1x32xf32, #tpu.memory_space<vmem>>, %arg7: memref<32x1024xf32, #tpu.memory_space<vmem>>, %arg8: memref<1x1024xf32, #tpu.memory_space<vmem>>, %arg9: memref<1024x32xf32, #tpu.memory_space<vmem>>, %arg10: memref<1000x32xf32, #tpu.memory_space<vmem>>) attributes {dimension_semantics = [#tpu.dimension_semantics<arbitrary>], iteration_bounds = array<i64: 10>, scalar_prefetch = 0 : i64, scratch_operands = 0 : i64, tpu.core_type = #tpu.core_type<tc>, window_params = [{transform_indices = @transform_0, window_bounds = array<i64: 2, 1000, 32>}, {transform_indices = @transform_1, window_bounds = array<i64: 1000, 32>}, {transform_indices = @transform_2, window_bounds = array<i64: 2, 1000, 8>}, {pipeline_mode = #tpu.pipeline_mode<synchronous>, transform_indices = @transform_3, window_bounds = array<i64: 1, 32>}, {pipeline_mode = #tpu.pipeline_mode<synchronous>, transform_indices = @transform_4, window_bounds = array<i64: 32, 32>}, {pipeline_mode = #tpu.pipeline_mode<synchronous>, transform_indices = @transform_5, window_bounds = array<i64: 1, 32>}, {pipeline_mode = #tpu.pipeline_mode<synchronous>, transform_indices = @transform_6, window_bounds = array<i64: 32, 1024>}, {pipeline_mode = #tpu.pipeline_mode<synchronous>, transform_indices = @transform_7, window_bounds = array<i64: 1, 1024>}, {pipeline_mode = #tpu.pipeline_mode<synchronous>, transform_indices = @transform_8, window_bounds = array<i64: 1024, 32>}, {transform_indices = @transform_9, window_bounds = array<i64: 1000, 32>}]} {
    %get3A = arith.constant 0 : index
    %get3A_0 = arith.constant 0 : index
    %get3A_1 = arith.constant 0 : index
    %get3A_2 = vector.load %arg3[%get3A, %get3A_0, %get3A_1] : memref<2x1000x8xf32, #tpu.memory_space<vmem>>, vector<1x1000x1xf32>
    %get3A_3 = vector.shape_cast %get3A_2 : vector<1x1000x1xf32> to vector<1000x1xf32>
    %get3A_4 = arith.constant 1 : index
    %get3A_5 = arith.constant 0 : index
    %get3A_6 = arith.constant 0 : index
    %get3A_7 = vector.load %arg3[%get3A_4, %get3A_5, %get3A_6] : memref<2x1000x8xf32, #tpu.memory_space<vmem>>, vector<1x1000x1xf32>
    %get3A_8 = vector.shape_cast %get3A_7 : vector<1x1000x1xf32> to vector<1000x1xf32>
    %add3A = arith.addf %get3A_3, %get3A_8 : vector<1000x1xf32>
    %add3A_9 = arith.constant 1.000000e+00 : f32
    %add3A_10 = vector.broadcast %add3A_9 : f32 to vector<1000x1xf32>
    %add3A_11 = arith.addf %add3A, %add3A_10 : vector<1000x1xf32>
    %rsqrt3A = math.rsqrt %add3A_11 : vector<1000x1xf32>
    %get3A_12 = arith.constant 0 : index
    %get3A_13 = arith.constant 0 : index
    %get3A_14 = arith.constant 0 : index
    %get3A_15 = vector.load %arg1[%get3A_12, %get3A_13, %get3A_14] : memref<2x1000x32xf32, #tpu.memory_space<vmem>>, vector<1x1000x32xf32>
    %get3A_16 = vector.shape_cast %get3A_15 : vector<1x1000x32xf32> to vector<1000x32xf32>
    %get3A_17 = arith.constant 1 : index
    %get3A_18 = arith.constant 0 : index
    %get3A_19 = arith.constant 0 : index
    %get3A_20 = vector.load %arg1[%get3A_17, %get3A_18, %get3A_19] : memref<2x1000x32xf32, #tpu.memory_space<vmem>>, vector<1x1000x32xf32>
    %get3A_21 = vector.shape_cast %get3A_20 : vector<1x1000x32xf32> to vector<1000x32xf32>
    %add3A_22 = arith.addf %get3A_16, %get3A_21 : vector<1000x32xf32>
    %get3A_23 = arith.constant 0 : index
    %get3A_24 = arith.constant 0 : index
    %get3A_25 = vector.load %arg2[%get3A_23, %get3A_24] : memref<1000x32xf32, #tpu.memory_space<vmem>>, vector<1000x32xf32>
    %add3A_26 = arith.addf %add3A_22, %get3A_25 : vector<1000x32xf32>
    %mul3A = vector.broadcast %rsqrt3A : vector<1000x1xf32> to vector<1000x32xf32>
    %mul3A_27 = arith.mulf %add3A_26, %mul3A : vector<1000x32xf32>
    %get3A_28 = arith.constant 0 : index
    %get3A_29 = arith.constant 0 : index
    %get3A_30 = vector.load %arg4[%get3A_28, %get3A_29] : memref<1x32xf32, #tpu.memory_space<vmem>>, vector<1x32xf32>
    %add3A_31 = vector.broadcast %get3A_30 : vector<1x32xf32> to vector<1000x32xf32>
    %add3A_32 = arith.addf %mul3A_27, %add3A_31 : vector<1000x32xf32>
    %get3A_33 = arith.constant 0 : index
    %get3A_34 = arith.constant 0 : index
    %get3A_35 = vector.load %arg5[%get3A_33, %get3A_34] : memref<32x32xf32, #tpu.memory_space<vmem>>, vector<32x32xf32>
    %dot_general3A = arith.constant dense<0.000000e+00> : vector<1000x32xf32>
    %dot_general3A_36 = tpu.matmul %add3A_32, %get3A_35, %dot_general3A {dimension_numbers = #tpu.dot_dimension_numbers<[1], [0], [0], [1], [0, 0, 1, 1], [], []>, transpose_lhs_hint = false} : vector<1000x32xf32>, vector<32x32xf32>, vector<1000x32xf32> -> vector<1000x32xf32>
    %get3A_37 = arith.constant 0 : index
    %get3A_38 = arith.constant 0 : index
    %get3A_39 = vector.load %arg6[%get3A_37, %get3A_38] : memref<1x32xf32, #tpu.memory_space<vmem>>, vector<1x32xf32>
    %add3A_40 = vector.broadcast %get3A_39 : vector<1x32xf32> to vector<1000x32xf32>
    %add3A_41 = arith.addf %dot_general3A_36, %add3A_40 : vector<1000x32xf32>
    %max3A = arith.constant 0.000000e+00 : f32
    %max3A_42 = vector.broadcast %max3A : f32 to vector<1000x32xf32>
    %max3A_43 = arith.maximumf %add3A_41, %max3A_42 : vector<1000x32xf32>
    %get3A_44 = arith.constant 0 : index
    %get3A_45 = arith.constant 0 : index
    %get3A_46 = vector.load %arg7[%get3A_44, %get3A_45] : memref<32x1024xf32, #tpu.memory_space<vmem>>, vector<32x1024xf32>
    %dot_general3A_47 = arith.constant dense<0.000000e+00> : vector<1000x1024xf32>
    %dot_general3A_48 = tpu.matmul %max3A_43, %get3A_46, %dot_general3A_47 {dimension_numbers = #tpu.dot_dimension_numbers<[1], [0], [0], [1], [0, 0, 1, 1], [], []>, transpose_lhs_hint = false} : vector<1000x32xf32>, vector<32x1024xf32>, vector<1000x1024xf32> -> vector<1000x1024xf32>
    %get3A_49 = arith.constant 0 : index
    %get3A_50 = arith.constant 0 : index
    %get3A_51 = vector.load %arg8[%get3A_49, %get3A_50] : memref<1x1024xf32, #tpu.memory_space<vmem>>, vector<1x1024xf32>
    %add3A_52 = vector.broadcast %get3A_51 : vector<1x1024xf32> to vector<1000x1024xf32>
    %add3A_53 = arith.addf %dot_general3A_48, %add3A_52 : vector<1000x1024xf32>
    %max3A_54 = arith.constant 0.000000e+00 : f32
    %max3A_55 = vector.broadcast %max3A_54 : f32 to vector<1000x1024xf32>
    %max3A_56 = arith.maximumf %add3A_53, %max3A_55 : vector<1000x1024xf32>
    %get3A_57 = arith.constant 0 : index
    %get3A_58 = arith.constant 0 : index
    %get3A_59 = vector.load %arg9[%get3A_57, %get3A_58] : memref<1024x32xf32, #tpu.memory_space<vmem>>, vector<1024x32xf32>
    %dot_general3A_60 = arith.constant dense<0.000000e+00> : vector<1000x32xf32>
    %dot_general3A_61 = tpu.matmul %max3A_56, %get3A_59, %dot_general3A_60 {dimension_numbers = #tpu.dot_dimension_numbers<[1], [0], [0], [1], [0, 0, 1, 1], [], []>, transpose_lhs_hint = false} : vector<1000x1024xf32>, vector<1024x32xf32>, vector<1000x32xf32> -> vector<1000x32xf32>
    %mul3A_62 = vector.broadcast %rsqrt3A : vector<1000x1xf32> to vector<1000x32xf32>
    %mul3A_63 = arith.mulf %dot_general3A_61, %mul3A_62 : vector<1000x32xf32>
    %swap3A = arith.constant 0 : index
    %swap3A_64 = arith.constant 0 : index
    %swap3A_65 = vector.load %arg10[%swap3A, %swap3A_64] : memref<1000x32xf32, #tpu.memory_space<vmem>>, vector<1000x32xf32>
    tpu.vector_store %arg10[%swap3A, %swap3A_64], %mul3A_63 {strides = array<i32>} : memref<1000x32xf32, #tpu.memory_space<vmem>>, vector<1000x32xf32>,
    return
  }
  func.func @transform_0(%arg0: i32) -> (i32, i32, i32) {
    %c0_i32 = arith.constant 0 : i32
    %c0_i32_0 = arith.constant 0 : i32
    %c0_i32_1 = arith.constant 0 : i32
    return %c0_i32, %arg0, %c0_i32_0 : i32, i32, i32
  }
  func.func @transform_1(%arg0: i32) -> (i32, i32) {
    %c0_i32 = arith.constant 0 : i32
    %c0_i32_0 = arith.constant 0 : i32
    return %arg0, %c0_i32 : i32, i32
  }
  func.func @transform_2(%arg0: i32) -> (i32, i32, i32) {
    %c0_i32 = arith.constant 0 : i32
    %c0_i32_0 = arith.constant 0 : i32
    %c0_i32_1 = arith.constant 0 : i32
    return %c0_i32, %arg0, %c0_i32_0 : i32, i32, i32
  }
  func.func @transform_3(%arg0: i32) -> (i32, i32) {
    %c0_i32 = arith.constant 0 : i32
    %c0_i32_0 = arith.constant 0 : i32
    %c0_i32_1 = arith.constant 0 : i32
    return %c0_i32, %c0_i32_0 : i32, i32
  }
  func.func @transform_4(%arg0: i32) -> (i32, i32) {
    %c0_i32 = arith.constant 0 : i32
    %c0_i32_0 = arith.constant 0 : i32
    %c0_i32_1 = arith.constant 0 : i32
    return %c0_i32, %c0_i32_0 : i32, i32
  }
  func.func @transform_5(%arg0: i32) -> (i32, i32) {
    %c0_i32 = arith.constant 0 : i32
    %c0_i32_0 = arith.constant 0 : i32
    %c0_i32_1 = arith.constant 0 : i32
    return %c0_i32, %c0_i32_0 : i32, i32
  }
  func.func @transform_6(%arg0: i32) -> (i32, i32) {
    %c0_i32 = arith.constant 0 : i32
    %c0_i32_0 = arith.constant 0 : i32
    %c0_i32_1 = arith.constant 0 : i32
    return %c0_i32, %c0_i32_0 : i32, i32
  }
  func.func @transform_7(%arg0: i32) -> (i32, i32) {
    %c0_i32 = arith.constant 0 : i32
    %c0_i32_0 = arith.constant 0 : i32
    %c0_i32_1 = arith.constant 0 : i32
    return %c0_i32, %c0_i32_0 : i32, i32
  }
  func.func @transform_8(%arg0: i32) -> (i32, i32) {
    %c0_i32 = arith.constant 0 : i32
    %c0_i32_0 = arith.constant 0 : i32
    %c0_i32_1 = arith.constant 0 : i32
    return %c0_i32, %c0_i32_0 : i32, i32
  }
  func.func @transform_9(%arg0: i32) -> (i32, i32) {
    %c0_i32 = arith.constant 0 : i32
    %c0_i32_0 = arith.constant 0 : i32
    return %arg0, %c0_i32 : i32, i32
  }
}

module attributes {stable_mosaic.version = 14 : i64} {
  func.func @_tc3_body(%arg0: i32, %arg1: memref<2x1000x32xf32, #tpu.memory_space<vmem>>, %arg2: memref<1000x32xf32, #tpu.memory_space<vmem>>, %arg3: memref<2x1000x8xf32, #tpu.memory_space<vmem>>, %arg4: memref<1x32xf32, #tpu.memory_space<vmem>>, %arg5: memref<32x32xf32, #tpu.memory_space<vmem>>, %arg6: memref<1x32xf32, #tpu.memory_space<vmem>>, %arg7: memref<32x1024xf32, #tpu.memory_space<vmem>>, %arg8: memref<1x1024xf32, #tpu.memory_space<vmem>>, %arg9: memref<1000x1024xf32, #tpu.memory_space<vmem>>) attributes {dimension_semantics = [#tpu.dimension_semantics<arbitrary>], iteration_bounds = array<i64: 10>, scalar_prefetch = 0 : i64, scratch_operands = 0 : i64, tpu.core_type = #tpu.core_type<tc>, window_params = [{transform_indices = @transform_0, window_bounds = array<i64: 2, 1000, 32>}, {transform_indices = @transform_1, window_bounds = array<i64: 1000, 32>}, {transform_indices = @transform_2, window_bounds = array<i64: 2, 1000, 8>}, {pipeline_mode = #tpu.pipeline_mode<synchronous>, transform_indices = @transform_3, window_bounds = array<i64: 1, 32>}, {pipeline_mode = #tpu.pipeline_mode<synchronous>, transform_indices = @transform_4, window_bounds = array<i64: 32, 32>}, {pipeline_mode = #tpu.pipeline_mode<synchronous>, transform_indices = @transform_5, window_bounds = array<i64: 1, 32>}, {pipeline_mode = #tpu.pipeline_mode<synchronous>, transform_indices = @transform_6, window_bounds = array<i64: 32, 1024>}, {pipeline_mode = #tpu.pipeline_mode<synchronous>, transform_indices = @transform_7, window_bounds = array<i64: 1, 1024>}, {transform_indices = @transform_8, window_bounds = array<i64: 1000, 1024>}]} {
    %get3A = arith.constant 0 : index
    %get3A_0 = arith.constant 0 : index
    %get3A_1 = arith.constant 0 : index
    %get3A_2 = vector.load %arg3[%get3A, %get3A_0, %get3A_1] : memref<2x1000x8xf32, #tpu.memory_space<vmem>>, vector<1x1000x1xf32>
    %get3A_3 = vector.shape_cast %get3A_2 : vector<1x1000x1xf32> to vector<1000x1xf32>
    %get3A_4 = arith.constant 1 : index
    %get3A_5 = arith.constant 0 : index
    %get3A_6 = arith.constant 0 : index
    %get3A_7 = vector.load %arg3[%get3A_4, %get3A_5, %get3A_6] : memref<2x1000x8xf32, #tpu.memory_space<vmem>>, vector<1x1000x1xf32>
    %get3A_8 = vector.shape_cast %get3A_7 : vector<1x1000x1xf32> to vector<1000x1xf32>
    %add3A = arith.addf %get3A_3, %get3A_8 : vector<1000x1xf32>
    %add3A_9 = arith.constant 1.000000e+00 : f32
    %add3A_10 = vector.broadcast %add3A_9 : f32 to vector<1000x1xf32>
    %add3A_11 = arith.addf %add3A, %add3A_10 : vector<1000x1xf32>
    %rsqrt3A = math.rsqrt %add3A_11 : vector<1000x1xf32>
    %get3A_12 = arith.constant 0 : index
    %get3A_13 = arith.constant 0 : index
    %get3A_14 = arith.constant 0 : index
    %get3A_15 = vector.load %arg1[%get3A_12, %get3A_13, %get3A_14] : memref<2x1000x32xf32, #tpu.memory_space<vmem>>, vector<1x1000x32xf32>
    %get3A_16 = vector.shape_cast %get3A_15 : vector<1x1000x32xf32> to vector<1000x32xf32>
    %get3A_17 = arith.constant 1 : index
    %get3A_18 = arith.constant 0 : index
    %get3A_19 = arith.constant 0 : index
    %get3A_20 = vector.load %arg1[%get3A_17, %get3A_18, %get3A_19] : memref<2x1000x32xf32, #tpu.memory_space<vmem>>, vector<1x1000x32xf32>
    %get3A_21 = vector.shape_cast %get3A_20 : vector<1x1000x32xf32> to vector<1000x32xf32>
    %add3A_22 = arith.addf %get3A_16, %get3A_21 : vector<1000x32xf32>
    %get3A_23 = arith.constant 0 : index
    %get3A_24 = arith.constant 0 : index
    %get3A_25 = vector.load %arg2[%get3A_23, %get3A_24] : memref<1000x32xf32, #tpu.memory_space<vmem>>, vector<1000x32xf32>
    %add3A_26 = arith.addf %add3A_22, %get3A_25 : vector<1000x32xf32>
    %mul3A = vector.broadcast %rsqrt3A : vector<1000x1xf32> to vector<1000x32xf32>
    %mul3A_27 = arith.mulf %add3A_26, %mul3A : vector<1000x32xf32>
    %get3A_28 = arith.constant 0 : index
    %get3A_29 = arith.constant 0 : index
    %get3A_30 = vector.load %arg4[%get3A_28, %get3A_29] : memref<1x32xf32, #tpu.memory_space<vmem>>, vector<1x32xf32>
    %add3A_31 = vector.broadcast %get3A_30 : vector<1x32xf32> to vector<1000x32xf32>
    %add3A_32 = arith.addf %mul3A_27, %add3A_31 : vector<1000x32xf32>
    %get3A_33 = arith.constant 0 : index
    %get3A_34 = arith.constant 0 : index
    %get3A_35 = vector.load %arg5[%get3A_33, %get3A_34] : memref<32x32xf32, #tpu.memory_space<vmem>>, vector<32x32xf32>
    %dot_general3A = arith.constant dense<0.000000e+00> : vector<1000x32xf32>
    %dot_general3A_36 = tpu.matmul %add3A_32, %get3A_35, %dot_general3A {dimension_numbers = #tpu.dot_dimension_numbers<[1], [0], [0], [1], [0, 0, 1, 1], [], []>, transpose_lhs_hint = false} : vector<1000x32xf32>, vector<32x32xf32>, vector<1000x32xf32> -> vector<1000x32xf32>
    %get3A_37 = arith.constant 0 : index
    %get3A_38 = arith.constant 0 : index
    %get3A_39 = vector.load %arg6[%get3A_37, %get3A_38] : memref<1x32xf32, #tpu.memory_space<vmem>>, vector<1x32xf32>
    %add3A_40 = vector.broadcast %get3A_39 : vector<1x32xf32> to vector<1000x32xf32>
    %add3A_41 = arith.addf %dot_general3A_36, %add3A_40 : vector<1000x32xf32>
    %max3A = arith.constant 0.000000e+00 : f32
    %max3A_42 = vector.broadcast %max3A : f32 to vector<1000x32xf32>
    %max3A_43 = arith.maximumf %add3A_41, %max3A_42 : vector<1000x32xf32>
    %get3A_44 = arith.constant 0 : index
    %get3A_45 = arith.constant 0 : index
    %get3A_46 = vector.load %arg7[%get3A_44, %get3A_45] : memref<32x1024xf32, #tpu.memory_space<vmem>>, vector<32x1024xf32>
    %dot_general3A_47 = arith.constant dense<0.000000e+00> : vector<1000x1024xf32>
    %dot_general3A_48 = tpu.matmul %max3A_43, %get3A_46, %dot_general3A_47 {dimension_numbers = #tpu.dot_dimension_numbers<[1], [0], [0], [1], [0, 0, 1, 1], [], []>, transpose_lhs_hint = false} : vector<1000x32xf32>, vector<32x1024xf32>, vector<1000x1024xf32> -> vector<1000x1024xf32>
    %get3A_49 = arith.constant 0 : index
    %get3A_50 = arith.constant 0 : index
    %get3A_51 = vector.load %arg8[%get3A_49, %get3A_50] : memref<1x1024xf32, #tpu.memory_space<vmem>>, vector<1x1024xf32>
    %add3A_52 = vector.broadcast %get3A_51 : vector<1x1024xf32> to vector<1000x1024xf32>
    %add3A_53 = arith.addf %dot_general3A_48, %add3A_52 : vector<1000x1024xf32>
    %swap3A = arith.constant 0 : index
    %swap3A_54 = arith.constant 0 : index
    %swap3A_55 = vector.load %arg9[%swap3A, %swap3A_54] : memref<1000x1024xf32, #tpu.memory_space<vmem>>, vector<1000x1024xf32>
    tpu.vector_store %arg9[%swap3A, %swap3A_54], %add3A_53 {strides = array<i32>} : memref<1000x1024xf32, #tpu.memory_space<vmem>>, vector<1000x1024xf32>,
    return
  }
  func.func @transform_0(%arg0: i32) -> (i32, i32, i32) {
    %c0_i32 = arith.constant 0 : i32
    %c0_i32_0 = arith.constant 0 : i32
    %c0_i32_1 = arith.constant 0 : i32
    return %c0_i32, %arg0, %c0_i32_0 : i32, i32, i32
  }
  func.func @transform_1(%arg0: i32) -> (i32, i32) {
    %c0_i32 = arith.constant 0 : i32
    %c0_i32_0 = arith.constant 0 : i32
    return %arg0, %c0_i32 : i32, i32
  }
  func.func @transform_2(%arg0: i32) -> (i32, i32, i32) {
    %c0_i32 = arith.constant 0 : i32
    %c0_i32_0 = arith.constant 0 : i32
    %c0_i32_1 = arith.constant 0 : i32
    return %c0_i32, %arg0, %c0_i32_0 : i32, i32, i32
  }
  func.func @transform_3(%arg0: i32) -> (i32, i32) {
    %c0_i32 = arith.constant 0 : i32
    %c0_i32_0 = arith.constant 0 : i32
    %c0_i32_1 = arith.constant 0 : i32
    return %c0_i32, %c0_i32_0 : i32, i32
  }
  func.func @transform_4(%arg0: i32) -> (i32, i32) {
    %c0_i32 = arith.constant 0 : i32
    %c0_i32_0 = arith.constant 0 : i32
    %c0_i32_1 = arith.constant 0 : i32
    return %c0_i32, %c0_i32_0 : i32, i32
  }
  func.func @transform_5(%arg0: i32) -> (i32, i32) {
    %c0_i32 = arith.constant 0 : i32
    %c0_i32_0 = arith.constant 0 : i32
    %c0_i32_1 = arith.constant 0 : i32
    return %c0_i32, %c0_i32_0 : i32, i32
  }
  func.func @transform_6(%arg0: i32) -> (i32, i32) {
    %c0_i32 = arith.constant 0 : i32
    %c0_i32_0 = arith.constant 0 : i32
    %c0_i32_1 = arith.constant 0 : i32
    return %c0_i32, %c0_i32_0 : i32, i32
  }
  func.func @transform_7(%arg0: i32) -> (i32, i32) {
    %c0_i32 = arith.constant 0 : i32
    %c0_i32_0 = arith.constant 0 : i32
    %c0_i32_1 = arith.constant 0 : i32
    return %c0_i32, %c0_i32_0 : i32, i32
  }
  func.func @transform_8(%arg0: i32) -> (i32, i32) {
    %c0_i32 = arith.constant 0 : i32
    %c0_i32_0 = arith.constant 0 : i32
    return %arg0, %c0_i32 : i32, i32
  }
}

</mosaic_0001>

<sc_bundles>
// kernel: kernel.12.cloned.1.call-start
scs
__scs_entry_jumppad:
0x0: {  	(pc) =	sbr.rel $0x88, $3  }
0x1: {  	(tag) =	ssettag $0x0;
	lr =	simm.s32 $0x1  }
0x2: {  	[smem:$0x3F93] =	sst lr;
	_ =	strace $0xD0000000  }
0x3: {  	_ = 	snop  }
0x4: {  	_ = 	snop  }
0x5: {  	_ = 	snop  }
0x6: {  	_ = 	snop  }
0x7: {  	_ = 	snop  }
__scs_overlays_trampoline_lowered:
0x8: {  	[smem:$0x3FA2] =	sst s0  }
0x9: {  	[smem:$0x3FA3] =	sst s1  }
0xa: {  	[smem:$0x3FA4] =	sst s2  }
0xb: {  	[smem:$0x3FA5] =	sst s3  }
0xc: {  	[smem:$0x3FA6] =	sst s4  }
0xd: {  	[smem:$0x3FA7] =	sst s5  }
0xe: {  	[smem:$0x3FA8] =	sst s6  }
0xf: {  	[smem:$0x3FA9] =	sst s7  }
0x10: {  	[smem:$0x3FAA] =	sst s8  }
0x11: {  	[smem:$0x3FAB] =	sst s9;
	s0 =	simm.s32 @!p0 $0x0  }
0x12: {  	s1 =	sld [smem:$0x3F91];
	s0 =	simm.s32 @p0 $0x1  }
0x13: {  	[smem:$0x3FAC] =	sst s0;
	s0 =	simm.s32 @!p1 $0x0  }
0x14: {  	s2 =	sld [smem:$0x3F90];
	s0 =	simm.s32 @p1 $0x1  }
0x15: {  	[smem:$0x3FAD] =	sst s0;
	s0 =	simm.s32 @!p2 $0x0  }
0x16: {  	s3 =	sld [smem:$0x3FDB];
	s0 =	simm.s32 @p2 $0x1  }
0x17: {  	s4 =	simm.s32 $0x1BF5;
	[smem:$0x3FAF] =	sst s0  }
0x18: {  	s0 =	sld [smem:$0x3F92];
	_ =	swait.ge [sflag:s4], $0x0  }
0x19: {  	s7 =	sld [smem:$0x3F93]  }
0x1a: {  	s8 =	sadd.s32 $0xFFFFE003, lr  }
0x1b: {  	s9 =	sadd.s32 $0xFFFFFEF7, lr;
	s5 =	simm.s32 $0xFFFFFFFF;
	p2 =	slt.u32 s8, $0xFFFFF086  }
0x1c: {  	p1 =	slt.u32 s9, $0xF7A;
	s5 =	simm.s32 @!p2 $0x0  }
0x1d: {  	s5 =	simm.s32 @p1 $0x1;
	p0 =	seq.s32 s7, s2  }
0x1e: {  	s7 =	smul.u32 @!p0 $0xF7A, s2;
	p2 =	seq.s32 @!p0 s5, $0x0  }
0x1f: {  	s9 =	smul.u32 $0xF7A, s1;
	s8 =	simm.s32 @!p0 $0x1BF5;
	p2 =	por !p2, p0  }
0x20: {  	[sflag:s8] =	ssyncset.s32 @!p0 $0xFFFFF086;
	s6 =	sadd.s32 @!p0 s3, s7;
	s7 =	simm.s32 @!p0 $0x108  }
0x21: {  	s3 =	sadd.s32 s3, s9;
	s6 =	sadd.s32 @!p0 $0x88, s6;
	s7 =	simm.s32 @p2 $0x1082  }
0x22: {  	[simem:s7], [sflag:s8] =	dma.local @!p0 [hbm:s6], $0xF7A  }
0x23: {  	s9 =	sor.u32 $0xD0000000, s2;
	s6 =	simm.s32 $0x108;
	_ =	swait.ge @!p0 [sflag:s8], $0x0  }
0x24: {  	s3 =	sadd.s32 $0x88, s3;
	s6 =	simm.s32 @!p1 $0x1082;
	[sflag:s4] =	ssyncset.s32 $0xFFFFF086  }
0x25: {  	[simem:s6], [sflag:s4] =	dma.local [hbm:s3], $0xF7A  }
0x26: {  	[smem:$0x3F93] =	sst s1;
	(tag) =	ssettag s2;
	_ =	strace s9  }
0x27: {  	s1 =	sld [smem:$0x3FA3]  }
0x28: {  	s2 =	sld [smem:$0x3FA4]  }
0x29: {  	s4 =	sld [smem:$0x3FA6]  }
0x2a: {  	p0 =	seq.s32 s5, $0x0;
	s5 =	sld [smem:$0x3FA7]  }
0x2b: {  	s6 =	sld [smem:$0x3FA8]  }
0x2c: {  	s7 =	sld [smem:$0x3FA9]  }
0x2d: {  	s3 =	simm.s32 $0x108;
	s8 =	sld [smem:$0x3FAA]  }
0x2e: {  	s3 =	simm.s32 @!p0 $0x1082;
	s9 =	sld [smem:$0x3FAB]  }
0x2f: {  	lr =	sadd.s32 s0, s3;
	s0 =	sld [smem:$0x3FA2]  }
0x30: {  	s3 =	sld [smem:$0x3FA5]  }
0x31: {  	[smem:$0x3FAE] =	sst s10  }
0x32: {  	s10 =	sld [smem:$0x3FAC];
	_ =	sdelay $0x3  }
0x33: {  	p0 =	seq.s32 s10, $0x1;
	s10 =	sld [smem:$0x3FAE];
	_ =	sdelay $0x3  }
0x34: {  	[smem:$0x3FAE] =	sst s10  }
0x35: {  	s10 =	sld [smem:$0x3FAD];
	_ =	sdelay $0x3  }
0x36: {  	p1 =	seq.s32 s10, $0x1;
	s10 =	sld [smem:$0x3FAE];
	_ =	sdelay $0x3  }
0x37: {  	[smem:$0x3FAE] =	sst s10  }
0x38: {  	s10 =	sld [smem:$0x3FAF]  }
0x39: {  	_ = 	snop;
	(pc) =	sbr.ind lr, $3  }
0x3a: {  	_ = 	snop  }
0x3b: {  	_ = 	snop  }
0x3c: {  	p2 =	seq.s32 s10, $0x1;
	s10 =	sld [smem:$0x3FAE]  }
0x3d: {  	_ =	shalt  }
0x3e: {  	_ =	shalt  }
0x3f: {  	_ =	shalt  }
0x40: {  	_ =	shalt  }
0x41: {  	_ =	shalt  }
0x42: {  	_ =	shalt  }
0x43: {  	_ =	shalt  }
0x44: {  	_ =	shalt  }
0x45: {  	_ =	shalt  }
0x46: {  	_ =	shalt  }
0x47: {  	_ =	shalt  }
0x48: {  	_ =	shalt  }
0x49: {  	_ =	shalt  }
0x4a: {  	_ =	shalt  }
0x4b: {  	_ =	shalt  }
0x4c: {  	_ =	shalt  }
0x4d: {  	_ =	shalt  }
0x4e: {  	_ =	shalt  }
0x4f: {  	_ =	shalt  }
0x50: {  	_ =	shalt  }
0x51: {  	_ =	shalt  }
0x52: {  	_ =	shalt  }
0x53: {  	_ =	shalt  }
0x54: {  	_ =	shalt  }
0x55: {  	_ =	shalt  }
0x56: {  	_ =	shalt  }
0x57: {  	_ =	shalt  }
0x58: {  	_ =	shalt  }
0x59: {  	_ =	shalt  }
0x5a: {  	_ =	shalt  }
0x5b: {  	_ =	shalt  }
0x5c: {  	_ =	shalt  }
0x5d: {  	_ =	shalt  }
0x5e: {  	_ =	shalt  }
0x5f: {  	_ =	shalt  }
0x60: {  	_ =	shalt  }
0x61: {  	_ =	shalt  }
0x62: {  	_ =	shalt  }
0x63: {  	_ =	shalt  }
0x64: {  	_ =	shalt  }
0x65: {  	_ =	shalt  }
0x66: {  	_ =	shalt  }
0x67: {  	_ =	shalt  }
0x68: {  	_ =	shalt  }
0x69: {  	_ =	shalt  }
0x6a: {  	_ =	shalt  }
0x6b: {  	_ =	shalt  }
0x6c: {  	_ =	shalt  }
0x6d: {  	_ =	shalt  }
0x6e: {  	_ =	shalt  }
0x6f: {  	_ =	shalt  }
0x70: {  	_ =	shalt  }
0x71: {  	_ =	shalt  }
0x72: {  	_ =	shalt  }
0x73: {  	_ =	shalt  }
0x74: {  	_ =	shalt  }
0x75: {  	_ =	shalt  }
0x76: {  	_ =	shalt  }
0x77: {  	_ =	shalt  }
0x78: {  	_ =	shalt  }
0x79: {  	_ =	shalt  }
0x7a: {  	_ =	shalt  }
0x7b: {  	_ =	shalt  }
0x7c: {  	_ =	shalt  }
0x7d: {  	_ =	shalt  }
0x7e: {  	_ =	shalt  }
0x7f: {  	_ =	shalt  }
0x80: {  	_ =	shalt  }
0x81: {  	_ =	shalt  }
0x82: {  	_ =	shalt  }
0x83: {  	_ =	shalt  }
0x84: {  	_ =	shalt  }
0x85: {  	_ =	shalt  }
0x86: {  	_ =	shalt  }
0x87: {  	_ =	shalt  }
.Lfunc_end0:
.L_simem_size_0:
called_computation.1_lowered:
.L_overlay_start_0:
0x88: {  	s2 =	sld [smem:$0x3FD9]  }
0x89: {  	s3 =	sld [smem:$0x3FFE];
	_ =	sdelay $0x1  }
0x8a: {  	s1 =	srdreg.scid  }
0x8b: {  	s0 =	sand.u32 $0x1, s1  }
0x8c: {  	s16 =	sshll.u32 s0, $0xA;
	s2 =	sadd.s32 s3, s2  }
0x8d: {  	s2 =	sadd.s32 s2, s16  }
0x8e: {  	[smem:$0x3FBA] =	sst s2  }
0x8f: {  	_ = 	snop  }
0x90: {  	(tm) =	ssettm $0x1  }
0x91: {  	s17 =	sld [smem:$0x3FFB];
	_ =	sdelay $0x3  }
0x92: {  	_ =	strace s17  }
0x93: {  	s2 =	sld [smem:$0x3FFC];
	_ =	sdelay $0x3  }
0x94: {  	_ =	strace s2  }
0x95: {  	s2 =	sld [smem:$0x3FFD];
	_ =	sdelay $0x3  }
0x96: {  	_ =	strace s2  }
0x97: {  	_ =	strace $0x8FFFFFFF  }
0x98: {  	s18 =	sld [smem:$0x3FDB];
	_ =	sdelay $0x1  }
0x99: {  	s19 =	simm.s32 $_scs_section_size  }
0x9a: {  	s4 =	simm.s32 $_size__tile_overlayer_lowered;
	s5 =	simm.s32 $_tile_overlayer_lowered  }
0x9b: {  	s22 =	simm.s32 $0x1BFF;
	s21 =	sshll.u32 s5, $0x1;
	s2 =	sadd.s32 s19, s18  }
0x9c: {  	s6 =	simm.s32 $0x0;
	s20 =	sshll.u32 s4, $0x1;
	s4 =	sadd.s32 s21, s2  }
0x9d: {  	[timem:s6], [sflag:s22] =	dma.local [hbm:s4], s20  }
0x9e: {  	_ =	swait.ge [sflag:s22], s20  }
0x9f: {  	s3 =	ssub.s32 $0x0, s20;
	[sflag:s22] =	ssyncset.done $0x0  }
0xa0: {  	[sflag:s22] =	ssyncadd.s32 s3;
	_ =	sdelay $0x1  }
0xa1: {  	s23 =	simm.s32 $0x1B8B  }
0xa2: {  	_ =	swait.ge [sflag:s23], $0x1  }
0xa3: {  	[sflag:s23] =	ssyncset.done $0x0  }
0xa4: {  	s25 =	simm.s32 $0x1B8E;
	s24 =	sld [smem:$0x3FFE];
	[sflag:s23] =	ssyncadd.s32 $0xFFFFFFFF  }
0xa5: {  	s26 =	simm.s32 $execute0_lowered;
	[smem:$0x3FD2] =	sst s25  }
0xa6: {  	s4 =	sshll.u32 s26, $0x1;
	_ =	strace $0x80000049;
	[dreg:$0x1] =	wrdreg $0xFFFFFFFF  }
0xa7: {  	s28 =	simm.s32 $_size_execute0_lowered;
	s2 =	sadd.s32 s2, s4;
	[dreg:$0x0] =	wrdreg $0x0  }
0xa8: {  	s4 =	sshll.u32 s28, $0x1;
	[dreg:$0x2] =	wrdreg s2  }
0xa9: {  	[dreg:$0x3] =	wrdreg s4  }
0xaa: {  	[dreg:$0x4] =	wrdreg $0xC0  }
0xab: {  	_ =	task [dreg:s6], $0x5FFFF  }
0xac: {  	[dreg:$0x1] =	wrdreg $0xFFFFFFFF  }
0xad: {  	[dreg:$0x0] =	wrdreg $0x60  }
0xae: {  	[dreg:$0x2] =	wrdreg s24  }
0xaf: {  	[dreg:$0x3] =	wrdreg $0x0  }
0xb0: {  	[dreg:$0x4] =	wrdreg $0x50000  }
0xb1: {  	[dreg:$0x5] =	wrdreg $0x9  }
0xb2: {  	_ =	task.clear_ibuf [dreg:s6], $0x6FFFF;
	_ =	strace $0x90000049  }
0xb3: {  	s29 =	simm.s32 $0x9;
	_ =	strace $0x8000004B  }
0xb4: {  	_ =	swait.ge [sflag:s29], $0x1  }
0xb5: {  	[sflag:s29] =	ssyncadd.s32 $0xFFFFFFFF  }
0xb6: {  	_ =	strace $0x9000004B  }
0xb7: {  	_ =	sfence  }
0xb8: {  	s30 =	sld [smem:$0x0];
	_ =	sdelay $0x2  }
0xb9: {  	s31 =	sshll.u32 s1, $0xD;
	s1 =	sshrl.u32 s1, $0x2  }
0xba: {  	s3 =	sand.u32 $0x4000, s31;
	s1 =	sadd.s32 s1, s30  }
0xbb: {  	s0 =	sor.u32 s3, s0;
	s1 =	sshll.u32 s1, $0x11  }
0xbc: {  	s0 =	sor.u32 s1, s0  }
0xbd: {  	s0 =	sadd.s32 $0x8F2B, s0  }
0xbe: {  	[sflag:s0] =	ssyncadd.remote.s32 $0x1  }
0xbf: {  	_ =	sfence.sel $0xFFFF  }
0xc0: {  	[dreg:$0x0] =	wrdreg $0xFFFFFFFF;
	(pc) =	sbr.abs _section_cstart, $3  }
0xc1: {  	[dreg:$0x1] =	wrdreg $0xFFFFFFFF  }
0xc2: {  	_ =	task.clear_ibuf [dreg:s6], $0x2FFFF;
	_ =	strace $0x9FFFFFFF  }
0xc3: {  	(tm) =	ssettm $0x7FFFFFFF  }
tec
execute0_lowered:
.L_overlay_start_1:
0x0: {  	(tag) =	ssettag $0x1  }
0x1: {  	s0 =	rddreg [dreg:$0x0]  }
0x2: {  	s2 =	rddreg [dreg:$0x1]  }
0x3: {  	s3 =	rddreg [dreg:$0x2];
	s4 =	simm.s32 $0x0;
	s16 =	stileid.u32  }
0x4: {  	s5 =	srdreg.scid;
	s20 =	simm.s32 $0x1;
	s21 =	simm.s32 $0x2  }
0x5: {  	s22 =	simm.s32 $0x3;
	s23 =	simm.s32 $0x4;
	s24 =	simm.s32 $0x80  }
0x6: {  	s25 =	simm.s32 $0xED20;
	s28 =	simm.s32 $0x5;
	s1 =	smul.u32 $0x4E20, s16  }
0x7: {  	[smem:$0x7FF] =	sst s4;
	s5 =	sand.u32 $0x1, s5;
	s9 =	smul.u32 $0x5000, s16  }
0x8: {  	s11 =	sadd.s32 $0x2A00, s0;
	s12 =	sadd.s32 $0xC800, s0;
	s30 =	sshll.u32 s16, $0x4  }
0x9: {  	_ =	strace $0x8000004A;
	s26 =	smul.u32 $0x50000, s5;
	s7 =	sshll.u32 s5, $0x4  }
0xa: {  	s29 =	ssub.s32 $0x2, s5;
	s5 =	sadd.s32 $0x70400, s0;
	s6 =	sshrl.u32 s1, $0x3  }
0xb: {  	s15 =	sor.u32 s16, s7;
	s13 =	sshrl.u32 s29, $0x1;
	s31 =	sadd.s32 s9, s2  }
0xc: {  	s1 =	sadd.s32 s1, s3;
	s10 =	sadd.s32 s6, s0;
	s6 =	sadd.s32 s9, s26  }
0xd: {  	s8 =	smul.u32 $0x4E0, s15;
	s14 =	ssub.s32 s29, s13;
	s13 =	sor.u32 $0x9C00, s30  }
0xe: {  	p0 =	sgt.u32 s15, $0x3;
	s15 =	simm.s32 $0x9E20;
	s17 =	sshrl.u32 s31, $0x3  }
0xf: {  	s19 =	sshrl.u32 s1, $0x3;
	s26 =	simm.s32 $0xFD20;
	s6 =	sshrl.u32 s6, $0x3  }
0x10: {  	s10 =	sadd.s32 $0x66600, s10;
	s14 =	smax.u32 s14, $0x1;
	s0 =	sadd.s32 s6, s0  }
0x11: {  	s6 =	sadd.s32 s11, s8;
	s7 =	sadd.s32 s12, s8;
	s8 =	sshll.u32 s16, $0x6  }
0x12: {  	s11 =	sadd.s32 s11, s13;
	s12 =	sadd.s32 s12, s13;
	s9 =	sor.u32 $0x1C03, s8  }
0x13: {  	s13 =	sadd.s32 $0x70E00, s0;
	s18 =	sor.u32 $0x1C04, s8;
	s0 =	simm.s32 $0x0  }
.LBB2_1:
0x14: {  	[tilespmem:s15], [sflag:$0x1] =	stream.linear.gather [hbm4b:s6+s4], $0x2700, $0x38;
	[tilespmem:$0x10D20] =	vst v63  }
0x15: {  	s1 =	simm.s32 $0xC5A0  }
0x16: {  	[tilespmem:s1], [sflag:$0x2] =	stream.linear.gather [hbm4b:s7+s4], $0x2700, $0x38;
	[tilespmem:$0x10D20] =	vst v63  }
0x17: {  	[spmem:s17], [sflag:s9] =	dma.local [hbm:s5], $0xA00  }
0x18: {  	[spmem:s19], [sflag:s18] =	dma.local [hbm:s10], $0x9C4  }
0x19: {  	_ =	swait.ge [sflag:s20], $0x2700  }
0x1a: {  	[sflag:s20] =	ssyncset.done $0x0  }
0x1b: {  	[sflag:s20] =	ssyncadd.s32 $0xFFFFD900  }
0x1c: {  	_ =	swait.ge [sflag:s21], $0x2700  }
0x1d: {  	[sflag:s21] =	ssyncset.done $0x0  }
0x1e: {  	[sflag:s21] =	ssyncadd.s32 $0xFFFFD900  }
0x1f: {  	_ =	swait.ge [sflag:s22], $0xA00  }
0x20: {  	[sflag:s22] =	ssyncset.done $0x0  }
0x21: {  	[sflag:s22] =	ssyncadd.s32 $0xFFFFF600  }
0x22: {  	_ =	swait.ge [sflag:s23], $0x9C4  }
0x23: {  	[sflag:s23] =	ssyncset.done $0x0  }
0x24: {  	s16 =	simm.s32 @!p0 $0xC520;
	s1 =	simm.s32 @!p0 $0x0;
	[sflag:s23] =	ssyncadd.s32 $0xFFFFF63C  }
0x25: {  	[tilespmem:s16], [sflag:$0x5] =	stream.linear.gather @!p0 [hbm4b:s11+s1], $0x80, $0x38;
	[tilespmem:$0x10D20] =	vst v63  }
0x26: {  	s16 =	simm.s32 @!p0 $0x5  }
0x27: {  	_ =	swait.ge @!p0 [sflag:s16], $0x80  }
0x28: {  	[sflag:s16] =	ssyncset.done @!p0 $0x0  }
0x29: {  	s29 =	simm.s32 @!p0 $0xECA0;
	[sflag:s16] =	ssyncadd.s32 @!p0 $0xFFFFFF80  }
0x2a: {  	[tilespmem:s29], [sflag:$0x5] =	stream.linear.gather @!p0 [hbm4b:s12+s1], $0x80, $0x38;
	[tilespmem:$0x10D20] =	vst v63  }
0x2b: {  	_ =	swait.ge @!p0 [sflag:s16], $0x80  }
0x2c: {  	[sflag:s16] =	ssyncset.done @!p0 $0x0  }
0x2d: {  	[sflag:s16] =	ssyncadd.s32 @!p0 $0xFFFFFF80  }
0x2e: {  	[bflag:$0x0] =	sbarrier.arrive $0xFFFF  }
0x2f: {  	[tilespmem:s25], [sflag:$0x1] =	stream.indirect.gather [spmem:s3], $0x20, s15, s24, $0xb8;
	[tilespmem:$0x10D20] =	vst v63  }
0x30: {  	s16 =	simm.s32 $0x9EA0  }
0x31: {  	[tilespmem:s26], [sflag:$0x2] =	stream.indirect.gather [spmem:s3], $0x20, s16, s24, $0xb8;
	[tilespmem:$0x10D20] =	vst v63  }
0x32: {  	_ =	swait.ge [sflag:s20], $0x1000  }
0x33: {  	[sflag:s20] =	ssyncset.done $0x0  }
0x34: {  	s29 =	simm.s32 $0xC5A0;
	[sflag:s20] =	ssyncadd.s32 $0xFFFFF000  }
0x35: {  	[spmem:s2] =	stream.indirect.scatter.add.f32 [tilespmem:s25], [sflag:$0x5], $0x20, s29, s24, $0xb8;
	[tilespmem:$0x10D20] =	vst v63  }
0x36: {  	_ =	swait.ge [sflag:s28], $0x1000  }
0x37: {  	[sflag:s28] =	ssyncset.done $0x0  }
0x38: {  	s30 =	simm.s32 $0x9F20;
	[sflag:s28] =	ssyncadd.s32 $0xFFFFF000  }
0x39: {  	[tilespmem:s25], [sflag:$0x1] =	stream.indirect.gather [spmem:s3], $0x20, s30, s24, $0xb8;
	[tilespmem:$0x10D20] =	vst v63  }
0x3a: {  	_ =	swait.ge [sflag:s21], $0x1000  }
0x3b: {  	[sflag:s21] =	ssyncset.done $0x0  }
0x3c: {  	s31 =	simm.s32 $0xC620;
	[sflag:s21] =	ssyncadd.s32 $0xFFFFF000  }
0x3d: {  	[spmem:s2] =	stream.indirect.scatter.add.f32 [tilespmem:s26], [sflag:$0x5], $0x20, s31, s24, $0xb8;
	[tilespmem:$0x10D20] =	vst v63  }
0x3e: {  	_ =	swait.ge [sflag:s28], $0x1000  }
0x3f: {  	s1 =	simm.s32 $0x100;
	s16 =	simm.s32 $0x800;
	[sflag:s28] =	ssyncset.done $0x0  }
.LBB2_2:
0x40: {  	s29 =	sadd.s32 $0x9EA0, s1  }
0x41: {  	[sflag:s28] =	ssyncadd.s32 $0xFFFFF000;
	s30 =	smov.u32 s16;
	s31 =	sadd.s32 $0x400, s16  }
0x42: {  	[tilespmem:s26], [sflag:$0x2] =	stream.indirect.gather [spmem:s3], $0x20, s29, s24, $0xb8;
	[tilespmem:$0x10D20] =	vst v63  }
0x43: {  	p1 =	sne.s32 s16, $0x9400;
	_ =	swait.ge [sflag:s20], $0x1000  }
0x44: {  	[sflag:s20] =	ssyncset.done $0x0  }
0x45: {  	s16 =	sadd.s32 $0xC5A0, s1;
	[sflag:s20] =	ssyncadd.s32 $0xFFFFF000  }
0x46: {  	[spmem:s2] =	stream.indirect.scatter.add.f32 [tilespmem:s25], [sflag:$0x5], $0x20, s16, s24, $0xb8;
	[tilespmem:$0x10D20] =	vst v63  }
0x47: {  	_ =	swait.ge [sflag:s28], $0x1000  }
0x48: {  	[sflag:s28] =	ssyncset.done $0x0  }
0x49: {  	s16 =	sadd.s32 $0x9F20, s1;
	[sflag:s28] =	ssyncadd.s32 $0xFFFFF000  }
0x4a: {  	[tilespmem:s25], [sflag:$0x1] =	stream.indirect.gather [spmem:s3], $0x20, s16, s24, $0xb8;
	[tilespmem:$0x10D20] =	vst v63  }
0x4b: {  	_ =	swait.ge [sflag:s21], $0x1000  }
.Ltmp0:
0x4c: {  	[sflag:s21] =	ssyncset.done $0x0;
	(pc) =	sbr.rel @p1 .LBB2_2-.Ltmp0, $4  }
0x4d: {  	s1 =	sadd.s32 $0xC620, s1;
	[sflag:s21] =	ssyncadd.s32 $0xFFFFF000  }
0x4e: {  	[spmem:s2] =	stream.indirect.scatter.add.f32 [tilespmem:s26], [sflag:$0x5], $0x20, s1, s24, $0xb8;
	[tilespmem:$0x10D20] =	vst v63  }
0x4f: {  	_ =	swait.ge [sflag:s28], $0x1000  }
0x50: {  	s16 =	smov.u32 s31;
	s1 =	sshra.s32 s30, $0x2;
	[sflag:s28] =	ssyncset.done $0x0  }
0x51: {  	s16 =	sadd.s32 $0x9EA0, s1;
	[sflag:s28] =	ssyncadd.s32 $0xFFFFF000  }
0x52: {  	[tilespmem:s26], [sflag:$0x2] =	stream.indirect.gather [spmem:s3], $0x20, s16, s24, $0xb8;
	[tilespmem:$0x10D20] =	vst v63  }
0x53: {  	_ =	swait.ge [sflag:s20], $0x1000  }
0x54: {  	[sflag:s20] =	ssyncset.done $0x0  }
0x55: {  	s29 =	sadd.s32 $0xC5A0, s1;
	[sflag:s20] =	ssyncadd.s32 $0xFFFFF000  }
0x56: {  	[spmem:s2] =	stream.indirect.scatter.add.f32 [tilespmem:s25], [sflag:$0x5], $0x20, s29, s24, $0xb8;
	[tilespmem:$0x10D20] =	vst v63  }
0x57: {  	_ =	swait.ge [sflag:s28], $0x1000  }
0x58: {  	[sflag:s28] =	ssyncset.done $0x0  }
0x59: {  	s30 =	sadd.s32 $0x9F20, s1;
	[sflag:s28] =	ssyncadd.s32 $0xFFFFF000  }
0x5a: {  	[tilespmem:s25], [sflag:$0x1] =	stream.indirect.gather [spmem:s3], $0x20, s30, s24, $0xb8;
	[tilespmem:$0x10D20] =	vst v63  }
0x5b: {  	_ =	swait.ge [sflag:s21], $0x1000  }
0x5c: {  	[sflag:s21] =	ssyncset.done $0x0  }
0x5d: {  	s31 =	sadd.s32 $0xC620, s1;
	[sflag:s21] =	ssyncadd.s32 $0xFFFFF000  }
0x5e: {  	[spmem:s2] =	stream.indirect.scatter.add.f32 [tilespmem:s26], [sflag:$0x5], $0x20, s31, s24, $0xb8;
	[tilespmem:$0x10D20] =	vst v63  }
0x5f: {  	_ =	swait.ge [sflag:s28], $0x1000  }
0x60: {  	[sflag:s28] =	ssyncset.done $0x0  }
0x61: {  	s16 =	simm.s32 $0xC4A0;
	[sflag:s28] =	ssyncadd.s32 $0xFFFFF000  }
0x62: {  	[tilespmem:s26], [sflag:$0x2] =	stream.indirect.gather [spmem:s3], $0x20, s16, s24, $0xb8;
	[tilespmem:$0x10D20] =	vst v63  }
0x63: {  	_ =	swait.ge [sflag:s20], $0x1000  }
0x64: {  	[sflag:s20] =	ssyncset.done $0x0  }
0x65: {  	s29 =	simm.s32 $0xEBA0;
	[sflag:s20] =	ssyncadd.s32 $0xFFFFF000  }
0x66: {  	[spmem:s2] =	stream.indirect.scatter.add.f32 [tilespmem:s25], [sflag:$0x5], $0x20, s29, s24, $0xb8;
	[tilespmem:$0x10D20] =	vst v63  }
0x67: {  	_ =	swait.ge [sflag:s28], $0x1000  }
0x68: {  	[sflag:s28] =	ssyncset.done $0x0  }
0x69: {  	[sflag:s28] =	ssyncadd.s32 $0xFFFFF000  }
0x6a: {  	_ =	swait.ge [sflag:s21], $0x1000  }
0x6b: {  	[sflag:s21] =	ssyncset.done $0x0  }
0x6c: {  	s30 =	simm.s32 $0xEC20;
	[sflag:s21] =	ssyncadd.s32 $0xFFFFF000  }
0x6d: {  	[spmem:s2] =	stream.indirect.scatter.add.f32 [tilespmem:s26], [sflag:$0x5], $0x20, s30, s24, $0xb8;
	[tilespmem:$0x10D20] =	vst v63  }
0x6e: {  	_ =	swait.ge [sflag:s28], $0x1000  }
0x6f: {  	s1 =	simm.s32 @!p0 $0x80;
	[sflag:s28] =	ssyncset.done $0x0  }
0x70: {  	s16 =	simm.s32 @!p0 $0xC520;
	s29 =	simm.s32 @!p0 $0xED20;
	[sflag:s28] =	ssyncadd.s32 $0xFFFFF000  }
0x71: {  	[tilespmem:s29], [sflag:$0x5] =	stream.indirect.gather @!p0 [spmem:s3], $0x20, s16, s1, $0xb8;
	[tilespmem:$0x10D20] =	vst v63  }
0x72: {  	s16 =	simm.s32 @!p0 $0x5  }
0x73: {  	_ =	swait.ge @!p0 [sflag:s16], $0x1000  }
0x74: {  	[sflag:s16] =	ssyncset.done @!p0 $0x0  }
0x75: {  	s30 =	simm.s32 @!p0 $0xECA0;
	[sflag:s16] =	ssyncadd.s32 @!p0 $0xFFFFF000  }
0x76: {  	[spmem:s2] =	stream.indirect.scatter.add.f32 @!p0 [tilespmem:s29], [sflag:$0x5], $0x20, s30, s1, $0xb8;
	[tilespmem:$0x10D20] =	vst v63  }
0x77: {  	_ =	swait.ge @!p0 [sflag:s16], $0x1000  }
0x78: {  	s0 =	sadd.s32 $0x1, s0;
	[sflag:s16] =	ssyncset.done @!p0 $0x0  }
0x79: {  	p1 =	sne.s32 s0, s14;
	[sflag:s16] =	ssyncadd.s32 @!p0 $0xFFFFF000  }
.Ltmp1:
0x7a: {  	s31 =	sor.u32 $0x1C05, s8;
	[bflag:$0x0] =	sbarrier.arrive $0xFFFF;
	(pc) =	sbr.rel @p1 .LBB2_1-.Ltmp1, $4  }
0x7b: {  	[hbm:s13], [sflag:s31] =	dma.local [spmem:s17], $0xA00  }
0x7c: {  	_ =	swait.ge [sflag:s28], $0xA00  }
0x7d: {  	[sflag:s28] =	ssyncset.done $0x0  }
0x7e: {  	[sflag:s28] =	ssyncadd.s32 $0xFFFFF600  }
0x7f: {  	_ =	sfence.sel $0x180000  }
0x80: {  	[bflag:$0x0] =	sbarrier.arrive $0xFFFF  }
0x81: {  	_ =	strace $0x9000004A  }
0x82: {  	s0 =	stileid.u32;
	[bflag:$0x2] =	sbarrier.arrive $0xFFFF  }
0x83: {  	p0 =	sne.s32 s0, $0x0;
	s0 =	rddreg [dreg:$0x3]  }
0x84: {  	s0 =	sadd.s32 @!p0 $0x100000, s0  }
0x85: {  	[sflag:s0] =	ssyncadd.tile.s32 @!p0 $0x1;
	_ =	shalt  }
.Lfunc_end2:
_tile_overlayer_lowered:
.L_overlay_start_2:
0x86: {  	(tag) =	ssettag $0x2  }
0x87: {  	s0 =	rddreg [dreg:$0x0];
	s2 =	stileid.u32  }
0x88: {  	s1 =	rddreg [dreg:$0x1];
	p0 =	sne.s32 s2, $0x0  }
0x89: {  	s3 =	rddreg [dreg:$0x2];
	[bflag:$0x3] =	sbarrier.arrive $0xFFFF;
	s2 =	simm.s32 @!p0 $0x1C05  }
0x8a: {  	[timem:s3], [sflag:s2] =	dma.local @!p0 [hbm:s0], s1  }
0x8b: {  	s0 =	simm.s32 @!p0 $0x5  }
0x8c: {  	_ =	swait.ge @!p0 [sflag:s0], s1  }
0x8d: {  	s1 =	ssub.s32 @!p0 $0x0, s1;
	[sflag:s0] =	ssyncset.done @!p0 $0x0  }
0x8e: {  	[sflag:s0] =	ssyncadd.s32 @!p0 s1  }
0x8f: {  	[bflag:$0x3] =	sbarrier.arrive $0xFFFF  }
0x90: {  	_ =	shalt  }

// kernel: kernel.15.cloned.1.call-start
scs
__scs_entry_jumppad:
0x0: {  	(pc) =	sbr.rel $0x88, $3  }
0x1: {  	(tag) =	ssettag $0x0;
	lr =	simm.s32 $0x1  }
0x2: {  	[smem:$0x3F93] =	sst lr;
	_ =	strace $0xD0000000  }
0x3: {  	_ = 	snop  }
0x4: {  	_ = 	snop  }
0x5: {  	_ = 	snop  }
0x6: {  	_ = 	snop  }
0x7: {  	_ = 	snop  }
__scs_overlays_trampoline_lowered:
0x8: {  	[smem:$0x3FA2] =	sst s0  }
0x9: {  	[smem:$0x3FA3] =	sst s1  }
0xa: {  	[smem:$0x3FA4] =	sst s2  }
0xb: {  	[smem:$0x3FA5] =	sst s3  }
0xc: {  	[smem:$0x3FA6] =	sst s4  }
0xd: {  	[smem:$0x3FA7] =	sst s5  }
0xe: {  	[smem:$0x3FA8] =	sst s6  }
0xf: {  	[smem:$0x3FA9] =	sst s7  }
0x10: {  	[smem:$0x3FAA] =	sst s8  }
0x11: {  	[smem:$0x3FAB] =	sst s9;
	s0 =	simm.s32 @!p0 $0x0  }
0x12: {  	s1 =	sld [smem:$0x3F91];
	s0 =	simm.s32 @p0 $0x1  }
0x13: {  	[smem:$0x3FAC] =	sst s0;
	s0 =	simm.s32 @!p1 $0x0  }
0x14: {  	s2 =	sld [smem:$0x3F90];
	s0 =	simm.s32 @p1 $0x1  }
0x15: {  	[smem:$0x3FAD] =	sst s0;
	s0 =	simm.s32 @!p2 $0x0  }
0x16: {  	s3 =	sld [smem:$0x3FDB];
	s0 =	simm.s32 @p2 $0x1  }
0x17: {  	s4 =	simm.s32 $0x1BF5;
	[smem:$0x3FAF] =	sst s0  }
0x18: {  	s0 =	sld [smem:$0x3F92];
	_ =	swait.ge [sflag:s4], $0x0  }
0x19: {  	s7 =	sld [smem:$0x3F93]  }
0x1a: {  	s8 =	sadd.s32 $0xFFFFE003, lr  }
0x1b: {  	s9 =	sadd.s32 $0xFFFFFEF7, lr;
	s5 =	simm.s32 $0xFFFFFFFF;
	p2 =	slt.u32 s8, $0xFFFFF086  }
0x1c: {  	p1 =	slt.u32 s9, $0xF7A;
	s5 =	simm.s32 @!p2 $0x0  }
0x1d: {  	s5 =	simm.s32 @p1 $0x1;
	p0 =	seq.s32 s7, s2  }
0x1e: {  	s7 =	smul.u32 @!p0 $0xF7A, s2;
	p2 =	seq.s32 @!p0 s5, $0x0  }
0x1f: {  	s9 =	smul.u32 $0xF7A, s1;
	s8 =	simm.s32 @!p0 $0x1BF5;
	p2 =	por !p2, p0  }
0x20: {  	[sflag:s8] =	ssyncset.s32 @!p0 $0xFFFFF086;
	s6 =	sadd.s32 @!p0 s3, s7;
	s7 =	simm.s32 @!p0 $0x108  }
0x21: {  	s3 =	sadd.s32 s3, s9;
	s6 =	sadd.s32 @!p0 $0x88, s6;
	s7 =	simm.s32 @p2 $0x1082  }
0x22: {  	[simem:s7], [sflag:s8] =	dma.local @!p0 [hbm:s6], $0xF7A  }
0x23: {  	s9 =	sor.u32 $0xD0000000, s2;
	s6 =	simm.s32 $0x108;
	_ =	swait.ge @!p0 [sflag:s8], $0x0  }
0x24: {  	s3 =	sadd.s32 $0x88, s3;
	s6 =	simm.s32 @!p1 $0x1082;
	[sflag:s4] =	ssyncset.s32 $0xFFFFF086  }
0x25: {  	[simem:s6], [sflag:s4] =	dma.local [hbm:s3], $0xF7A  }
0x26: {  	[smem:$0x3F93] =	sst s1;
	(tag) =	ssettag s2;
	_ =	strace s9  }
0x27: {  	s1 =	sld [smem:$0x3FA3]  }
0x28: {  	s2 =	sld [smem:$0x3FA4]  }
0x29: {  	s4 =	sld [smem:$0x3FA6]  }
0x2a: {  	p0 =	seq.s32 s5, $0x0;
	s5 =	sld [smem:$0x3FA7]  }
0x2b: {  	s6 =	sld [smem:$0x3FA8]  }
0x2c: {  	s7 =	sld [smem:$0x3FA9]  }
0x2d: {  	s3 =	simm.s32 $0x108;
	s8 =	sld [smem:$0x3FAA]  }
0x2e: {  	s3 =	simm.s32 @!p0 $0x1082;
	s9 =	sld [smem:$0x3FAB]  }
0x2f: {  	lr =	sadd.s32 s0, s3;
	s0 =	sld [smem:$0x3FA2]  }
0x30: {  	s3 =	sld [smem:$0x3FA5]  }
0x31: {  	[smem:$0x3FAE] =	sst s10  }
0x32: {  	s10 =	sld [smem:$0x3FAC];
	_ =	sdelay $0x3  }
0x33: {  	p0 =	seq.s32 s10, $0x1;
	s10 =	sld [smem:$0x3FAE];
	_ =	sdelay $0x3  }
0x34: {  	[smem:$0x3FAE] =	sst s10  }
0x35: {  	s10 =	sld [smem:$0x3FAD];
	_ =	sdelay $0x3  }
0x36: {  	p1 =	seq.s32 s10, $0x1;
	s10 =	sld [smem:$0x3FAE];
	_ =	sdelay $0x3  }
0x37: {  	[smem:$0x3FAE] =	sst s10  }
0x38: {  	s10 =	sld [smem:$0x3FAF]  }
0x39: {  	_ = 	snop;
	(pc) =	sbr.ind lr, $3  }
0x3a: {  	_ = 	snop  }
0x3b: {  	_ = 	snop  }
0x3c: {  	p2 =	seq.s32 s10, $0x1;
	s10 =	sld [smem:$0x3FAE]  }
0x3d: {  	_ =	shalt  }
0x3e: {  	_ =	shalt  }
0x3f: {  	_ =	shalt  }
0x40: {  	_ =	shalt  }
0x41: {  	_ =	shalt  }
0x42: {  	_ =	shalt  }
0x43: {  	_ =	shalt  }
0x44: {  	_ =	shalt  }
0x45: {  	_ =	shalt  }
0x46: {  	_ =	shalt  }
0x47: {  	_ =	shalt  }
0x48: {  	_ =	shalt  }
0x49: {  	_ =	shalt  }
0x4a: {  	_ =	shalt  }
0x4b: {  	_ =	shalt  }
0x4c: {  	_ =	shalt  }
0x4d: {  	_ =	shalt  }
0x4e: {  	_ =	shalt  }
0x4f: {  	_ =	shalt  }
0x50: {  	_ =	shalt  }
0x51: {  	_ =	shalt  }
0x52: {  	_ =	shalt  }
0x53: {  	_ =	shalt  }
0x54: {  	_ =	shalt  }
0x55: {  	_ =	shalt  }
0x56: {  	_ =	shalt  }
0x57: {  	_ =	shalt  }
0x58: {  	_ =	shalt  }
0x59: {  	_ =	shalt  }
0x5a: {  	_ =	shalt  }
0x5b: {  	_ =	shalt  }
0x5c: {  	_ =	shalt  }
0x5d: {  	_ =	shalt  }
0x5e: {  	_ =	shalt  }
0x5f: {  	_ =	shalt  }
0x60: {  	_ =	shalt  }
0x61: {  	_ =	shalt  }
0x62: {  	_ =	shalt  }
0x63: {  	_ =	shalt  }
0x64: {  	_ =	shalt  }
0x65: {  	_ =	shalt  }
0x66: {  	_ =	shalt  }
0x67: {  	_ =	shalt  }
0x68: {  	_ =	shalt  }
0x69: {  	_ =	shalt  }
0x6a: {  	_ =	shalt  }
0x6b: {  	_ =	shalt  }
0x6c: {  	_ =	shalt  }
0x6d: {  	_ =	shalt  }
0x6e: {  	_ =	shalt  }
0x6f: {  	_ =	shalt  }
0x70: {  	_ =	shalt  }
0x71: {  	_ =	shalt  }
0x72: {  	_ =	shalt  }
0x73: {  	_ =	shalt  }
0x74: {  	_ =	shalt  }
0x75: {  	_ =	shalt  }
0x76: {  	_ =	shalt  }
0x77: {  	_ =	shalt  }
0x78: {  	_ =	shalt  }
0x79: {  	_ =	shalt  }
0x7a: {  	_ =	shalt  }
0x7b: {  	_ =	shalt  }
0x7c: {  	_ =	shalt  }
0x7d: {  	_ =	shalt  }
0x7e: {  	_ =	shalt  }
0x7f: {  	_ =	shalt  }
0x80: {  	_ =	shalt  }
0x81: {  	_ =	shalt  }
0x82: {  	_ =	shalt  }
0x83: {  	_ =	shalt  }
0x84: {  	_ =	shalt  }
0x85: {  	_ =	shalt  }
0x86: {  	_ =	shalt  }
0x87: {  	_ =	shalt  }
.Lfunc_end0:
.L_simem_size_0:
called_computation.2_lowered:
.L_overlay_start_0:
0x88: {  	s2 =	sld [smem:$0x3FD9]  }
0x89: {  	s3 =	sld [smem:$0x3FFE];
	_ =	sdelay $0x1  }
0x8a: {  	s1 =	srdreg.scid  }
0x8b: {  	s0 =	sand.u32 $0x1, s1  }
0x8c: {  	s17 =	sshll.u32 s0, $0xA;
	s2 =	sadd.s32 s3, s2  }
0x8d: {  	s2 =	sadd.s32 s2, s17  }
0x8e: {  	[smem:$0x3FBA] =	sst s2  }
0x8f: {  	_ = 	snop  }
0x90: {  	s2 =	sld [smem:$0x3FD0];
	(tm) =	ssettm $0x1  }
0x91: {  	s18 =	sld [smem:$0x3FFB];
	_ =	sdelay $0x3  }
0x92: {  	_ =	strace s18  }
0x93: {  	s3 =	sld [smem:$0x3FFC];
	_ =	sdelay $0x3  }
0x94: {  	_ =	strace s3  }
0x95: {  	s3 =	sld [smem:$0x3FFD];
	_ =	sdelay $0x3  }
0x96: {  	_ =	strace s3  }
0x97: {  	_ =	strace $0x8FFFFFFF  }
0x98: {  	s19 =	sld [smem:$0x3FDB];
	_ =	sdelay $0x1  }
0x99: {  	s4 =	simm.s32 $_scs_section_size  }
0x9a: {  	s5 =	simm.s32 $_size__tile_overlayer_lowered;
	s6 =	simm.s32 $_tile_overlayer_lowered  }
0x9b: {  	s22 =	simm.s32 $0x1BFF;
	s21 =	sshll.u32 s6, $0x1;
	s3 =	sadd.s32 s4, s19  }
0x9c: {  	s7 =	simm.s32 $0x0;
	s20 =	sshll.u32 s5, $0x1;
	s5 =	sadd.s32 s21, s3  }
0x9d: {  	[timem:s7], [sflag:s22] =	dma.local [hbm:s5], s20  }
0x9e: {  	_ =	swait.ge [sflag:s22], s20  }
0x9f: {  	s4 =	ssub.s32 $0x0, s20;
	[sflag:s22] =	ssyncset.done $0x0  }
0xa0: {  	[sflag:s22] =	ssyncadd.s32 s4;
	_ =	sdelay $0x1  }
0xa1: {  	s23 =	simm.s32 $0x1B8B  }
0xa2: {  	_ =	swait.ge [sflag:s23], $0x1  }
0xa3: {  	[sflag:s23] =	ssyncset.done $0x0  }
0xa4: {  	s25 =	simm.s32 $0x1B8E;
	s24 =	sld [smem:$0x3FFE];
	[sflag:s23] =	ssyncadd.s32 $0xFFFFFFFF  }
0xa5: {  	s26 =	simm.s32 $execute0_lowered;
	[smem:$0x3FD2] =	sst s25  }
0xa6: {  	s5 =	sshll.u32 s26, $0x1;
	_ =	strace $0x8000004C;
	[dreg:$0x1] =	wrdreg $0xFFFFFFFF  }
0xa7: {  	s28 =	simm.s32 $_size_execute0_lowered;
	s3 =	sadd.s32 s3, s5;
	[dreg:$0x0] =	wrdreg $0x0  }
0xa8: {  	s5 =	sshll.u32 s28, $0x1;
	[dreg:$0x2] =	wrdreg s3  }
0xa9: {  	[dreg:$0x3] =	wrdreg s5  }
0xaa: {  	[dreg:$0x4] =	wrdreg $0xC0  }
0xab: {  	_ =	task [dreg:s7], $0x5FFFF  }
0xac: {  	[dreg:$0x1] =	wrdreg $0xFFFFFFFF  }
0xad: {  	[dreg:$0x0] =	wrdreg $0x60  }
0xae: {  	[dreg:$0x2] =	wrdreg s24  }
0xaf: {  	[dreg:$0x3] =	wrdreg s2  }
0xb0: {  	[dreg:$0x4] =	wrdreg $0x0  }
0xb1: {  	[dreg:$0x5] =	wrdreg $0x50000  }
0xb2: {  	[dreg:$0x6] =	wrdreg $0x9  }
0xb3: {  	_ =	task.clear_ibuf [dreg:s7], $0x7FFFF;
	_ =	strace $0x9000004C  }
0xb4: {  	s29 =	simm.s32 $0x9;
	_ =	strace $0x8000004E  }
0xb5: {  	_ =	swait.ge [sflag:s29], $0x1  }
0xb6: {  	[sflag:s29] =	ssyncadd.s32 $0xFFFFFFFF  }
0xb7: {  	_ =	strace $0x9000004E  }
0xb8: {  	_ =	sfence  }
0xb9: {  	s30 =	sld [smem:$0x0];
	_ =	sdelay $0x2  }
0xba: {  	s31 =	sshll.u32 s1, $0xD;
	s1 =	sshrl.u32 s1, $0x2  }
0xbb: {  	s3 =	sand.u32 $0x4000, s31;
	s1 =	sadd.s32 s1, s30  }
0xbc: {  	s0 =	sor.u32 s3, s0;
	s1 =	sshll.u32 s1, $0x11  }
0xbd: {  	s0 =	sor.u32 s1, s0  }
0xbe: {  	s0 =	sadd.s32 $0x8F2B, s0  }
0xbf: {  	[sflag:s0] =	ssyncadd.remote.s32 $0x1  }
0xc0: {  	_ =	sfence.sel $0xFFFF  }
0xc1: {  	[dreg:$0x0] =	wrdreg $0xFFFFFFFF;
	(pc) =	sbr.abs _section_cstart, $3  }
0xc2: {  	[dreg:$0x1] =	wrdreg $0xFFFFFFFF  }
0xc3: {  	_ =	task.clear_ibuf [dreg:s7], $0x2FFFF;
	_ =	strace $0x9FFFFFFF  }
0xc4: {  	(tm) =	ssettm $0x7FFFFFFF  }
0xc5: {  	_ =	shalt  }
tec
execute0_lowered:
.L_overlay_start_1:
0x0: {  	(tag) =	ssettag $0x1  }
0x1: {  	s0 =	rddreg [dreg:$0x0]  }
0x2: {  	s1 =	rddreg [dreg:$0x1]  }
0x3: {  	s2 =	rddreg [dreg:$0x2]  }
0x4: {  	s3 =	rddreg [dreg:$0x3];
	s18 =	stileid.u32  }
0x5: {  	s5 =	srdreg.scid;
	s4 =	simm.s32 $0x0;
	s20 =	simm.s32 $0x1  }
0x6: {  	s21 =	simm.s32 $0x2;
	s22 =	simm.s32 $0x3;
	s23 =	simm.s32 $0x4  }
0x7: {  	s24 =	simm.s32 $0x80;
	s25 =	simm.s32 $0xED20;
	s26 =	simm.s32 $0xFD20  }
0x8: {  	s28 =	simm.s32 $0x5;
	s10 =	smul.u32 $0x4E20, s18;
	s9 =	sand.u32 $0x1, s5  }
0x9: {  	[smem:$0x7FF] =	sst s4;
	s12 =	sadd.s32 $0x2A00, s0;
	s13 =	sadd.s32 $0xC800, s0  }
0xa: {  	s5 =	sadd.s32 $0x70400, s0;
	s14 =	smul.u32 $0x5000, s18;
	s8 =	sshll.u32 s18, $0x6  }
0xb: {  	s6 =	sshll.u32 s9, $0x4;
	_ =	strace $0x8000004D;
	s30 =	ssub.s32 $0x2, s9  }
0xc: {  	s16 =	smul.u32 $0x50000, s9;
	s9 =	sor.u32 $0x1C03, s8;
	s29 =	sshrl.u32 s10, $0x3  }
0xd: {  	s15 =	sor.u32 s18, s6;
	s31 =	sshrl.u32 s30, $0x1;
	s17 =	sadd.s32 s14, s2  }
0xe: {  	s18 =	sshll.u32 s18, $0x4;
	s19 =	sadd.s32 s10, s3;
	s11 =	sadd.s32 s29, s0  }
0xf: {  	s7 =	smul.u32 $0x4E0, s15;
	s0 =	ssub.s32 s30, s31;
	s18 =	sor.u32 $0x9C00, s18  }
0x10: {  	s14 =	sadd.s32 s14, s16;
	p0 =	sgt.u32 s15, $0x3;
	s15 =	simm.s32 $0x9E20  }
0x11: {  	s17 =	sshrl.u32 s17, $0x3;
	s19 =	sshrl.u32 s19, $0x3;
	s10 =	sadd.s32 $0x66600, s11  }
0x12: {  	s11 =	sadd.s32 s12, s18;
	s14 =	sshrl.u32 s14, $0x3;
	s6 =	sadd.s32 s12, s7  }
0x13: {  	s7 =	sadd.s32 s13, s7;
	s12 =	sadd.s32 s13, s18;
	s13 =	sadd.s32 s1, s14  }
0x14: {  	s14 =	smax.u32 s0, $0x1;
	s18 =	sor.u32 $0x1C04, s8;
	s1 =	simm.s32 $0x0  }
.LBB2_1:
0x15: {  	[tilespmem:s15], [sflag:$0x1] =	stream.linear.gather [hbm4b:s6+s4], $0x2700, $0x38;
	[tilespmem:$0x10D20] =	vst v63  }
0x16: {  	s0 =	simm.s32 $0xC5A0  }
0x17: {  	[tilespmem:s0], [sflag:$0x2] =	stream.linear.gather [hbm4b:s7+s4], $0x2700, $0x38;
	[tilespmem:$0x10D20] =	vst v63  }
0x18: {  	[spmem:s17], [sflag:s9] =	dma.local [hbm:s5], $0xA00  }
0x19: {  	[spmem:s19], [sflag:s18] =	dma.local [hbm:s10], $0x9C4  }
0x1a: {  	_ =	swait.ge [sflag:s20], $0x2700  }
0x1b: {  	[sflag:s20] =	ssyncset.done $0x0  }
0x1c: {  	[sflag:s20] =	ssyncadd.s32 $0xFFFFD900  }
0x1d: {  	_ =	swait.ge [sflag:s21], $0x2700  }
0x1e: {  	[sflag:s21] =	ssyncset.done $0x0  }
0x1f: {  	[sflag:s21] =	ssyncadd.s32 $0xFFFFD900  }
0x20: {  	_ =	swait.ge [sflag:s22], $0xA00  }
0x21: {  	[sflag:s22] =	ssyncset.done $0x0  }
0x22: {  	[sflag:s22] =	ssyncadd.s32 $0xFFFFF600  }
0x23: {  	_ =	swait.ge [sflag:s23], $0x9C4  }
0x24: {  	[sflag:s23] =	ssyncset.done $0x0  }
0x25: {  	s16 =	simm.s32 @!p0 $0xC520;
	s0 =	simm.s32 @!p0 $0x0;
	[sflag:s23] =	ssyncadd.s32 $0xFFFFF63C  }
0x26: {  	[tilespmem:s16], [sflag:$0x5] =	stream.linear.gather @!p0 [hbm4b:s11+s0], $0x80, $0x38;
	[tilespmem:$0x10D20] =	vst v63  }
0x27: {  	s16 =	simm.s32 @!p0 $0x5  }
0x28: {  	_ =	swait.ge @!p0 [sflag:s16], $0x80  }
0x29: {  	[sflag:s16] =	ssyncset.done @!p0 $0x0  }
0x2a: {  	s29 =	simm.s32 @!p0 $0xECA0;
	[sflag:s16] =	ssyncadd.s32 @!p0 $0xFFFFFF80  }
0x2b: {  	[tilespmem:s29], [sflag:$0x5] =	stream.linear.gather @!p0 [hbm4b:s12+s0], $0x80, $0x38;
	[tilespmem:$0x10D20] =	vst v63  }
0x2c: {  	_ =	swait.ge @!p0 [sflag:s16], $0x80  }
0x2d: {  	[sflag:s16] =	ssyncset.done @!p0 $0x0  }
0x2e: {  	[sflag:s16] =	ssyncadd.s32 @!p0 $0xFFFFFF80  }
0x2f: {  	[bflag:$0x0] =	sbarrier.arrive $0xFFFF  }
0x30: {  	[tilespmem:s25], [sflag:$0x1] =	stream.indirect.gather [spmem:s3], $0x20, s15, s24, $0xb8;
	[tilespmem:$0x10D20] =	vst v63  }
0x31: {  	s16 =	simm.s32 $0x9EA0  }
0x32: {  	[tilespmem:s26], [sflag:$0x2] =	stream.indirect.gather [spmem:s3], $0x20, s16, s24, $0xb8;
	[tilespmem:$0x10D20] =	vst v63  }
0x33: {  	_ =	swait.ge [sflag:s20], $0x1000  }
0x34: {  	[sflag:s20] =	ssyncset.done $0x0  }
0x35: {  	s29 =	simm.s32 $0xC5A0;
	[sflag:s20] =	ssyncadd.s32 $0xFFFFF000  }
0x36: {  	[spmem:s2] =	stream.indirect.scatter.add.f32 [tilespmem:s25], [sflag:$0x5], $0x20, s29, s24, $0xb8;
	[tilespmem:$0x10D20] =	vst v63  }
0x37: {  	_ =	swait.ge [sflag:s28], $0x1000  }
0x38: {  	[sflag:s28] =	ssyncset.done $0x0  }
0x39: {  	s30 =	simm.s32 $0x9F20;
	[sflag:s28] =	ssyncadd.s32 $0xFFFFF000  }
0x3a: {  	[tilespmem:s25], [sflag:$0x1] =	stream.indirect.gather [spmem:s3], $0x20, s30, s24, $0xb8;
	[tilespmem:$0x10D20] =	vst v63  }
0x3b: {  	_ =	swait.ge [sflag:s21], $0x1000  }
0x3c: {  	[sflag:s21] =	ssyncset.done $0x0  }
0x3d: {  	s31 =	simm.s32 $0xC620;
	[sflag:s21] =	ssyncadd.s32 $0xFFFFF000  }
0x3e: {  	[spmem:s2] =	stream.indirect.scatter.add.f32 [tilespmem:s26], [sflag:$0x5], $0x20, s31, s24, $0xb8;
	[tilespmem:$0x10D20] =	vst v63  }
0x3f: {  	_ =	swait.ge [sflag:s28], $0x1000  }
0x40: {  	s0 =	simm.s32 $0x100;
	s16 =	simm.s32 $0x800;
	[sflag:s28] =	ssyncset.done $0x0  }
.LBB2_2:
0x41: {  	s29 =	sadd.s32 $0x9EA0, s0  }
0x42: {  	[sflag:s28] =	ssyncadd.s32 $0xFFFFF000;
	s30 =	smov.u32 s16;
	s31 =	sadd.s32 $0x400, s16  }
0x43: {  	[tilespmem:s26], [sflag:$0x2] =	stream.indirect.gather [spmem:s3], $0x20, s29, s24, $0xb8;
	[tilespmem:$0x10D20] =	vst v63  }
0x44: {  	p1 =	sne.s32 s16, $0x9400;
	_ =	swait.ge [sflag:s20], $0x1000  }
0x45: {  	[sflag:s20] =	ssyncset.done $0x0  }
0x46: {  	s16 =	sadd.s32 $0xC5A0, s0;
	[sflag:s20] =	ssyncadd.s32 $0xFFFFF000  }
0x47: {  	[spmem:s2] =	stream.indirect.scatter.add.f32 [tilespmem:s25], [sflag:$0x5], $0x20, s16, s24, $0xb8;
	[tilespmem:$0x10D20] =	vst v63  }
0x48: {  	_ =	swait.ge [sflag:s28], $0x1000  }
0x49: {  	[sflag:s28] =	ssyncset.done $0x0  }
0x4a: {  	s16 =	sadd.s32 $0x9F20, s0;
	[sflag:s28] =	ssyncadd.s32 $0xFFFFF000  }
0x4b: {  	[tilespmem:s25], [sflag:$0x1] =	stream.indirect.gather [spmem:s3], $0x20, s16, s24, $0xb8;
	[tilespmem:$0x10D20] =	vst v63  }
0x4c: {  	_ =	swait.ge [sflag:s21], $0x1000  }
.Ltmp0:
0x4d: {  	[sflag:s21] =	ssyncset.done $0x0;
	(pc) =	sbr.rel @p1 .LBB2_2-.Ltmp0, $4  }
0x4e: {  	s0 =	sadd.s32 $0xC620, s0;
	[sflag:s21] =	ssyncadd.s32 $0xFFFFF000  }
0x4f: {  	[spmem:s2] =	stream.indirect.scatter.add.f32 [tilespmem:s26], [sflag:$0x5], $0x20, s0, s24, $0xb8;
	[tilespmem:$0x10D20] =	vst v63  }
0x50: {  	_ =	swait.ge [sflag:s28], $0x1000  }
0x51: {  	s16 =	smov.u32 s31;
	s0 =	sshra.s32 s30, $0x2;
	[sflag:s28] =	ssyncset.done $0x0  }
0x52: {  	s16 =	sadd.s32 $0x9EA0, s0;
	[sflag:s28] =	ssyncadd.s32 $0xFFFFF000  }
0x53: {  	[tilespmem:s26], [sflag:$0x2] =	stream.indirect.gather [spmem:s3], $0x20, s16, s24, $0xb8;
	[tilespmem:$0x10D20] =	vst v63  }
0x54: {  	_ =	swait.ge [sflag:s20], $0x1000  }
0x55: {  	[sflag:s20] =	ssyncset.done $0x0  }
0x56: {  	s29 =	sadd.s32 $0xC5A0, s0;
	[sflag:s20] =	ssyncadd.s32 $0xFFFFF000  }
0x57: {  	[spmem:s2] =	stream.indirect.scatter.add.f32 [tilespmem:s25], [sflag:$0x5], $0x20, s29, s24, $0xb8;
	[tilespmem:$0x10D20] =	vst v63  }
0x58: {  	_ =	swait.ge [sflag:s28], $0x1000  }
0x59: {  	[sflag:s28] =	ssyncset.done $0x0  }
0x5a: {  	s30 =	sadd.s32 $0x9F20, s0;
	[sflag:s28] =	ssyncadd.s32 $0xFFFFF000  }
0x5b: {  	[tilespmem:s25], [sflag:$0x1] =	stream.indirect.gather [spmem:s3], $0x20, s30, s24, $0xb8;
	[tilespmem:$0x10D20] =	vst v63  }
0x5c: {  	_ =	swait.ge [sflag:s21], $0x1000  }
0x5d: {  	[sflag:s21] =	ssyncset.done $0x0  }
0x5e: {  	s31 =	sadd.s32 $0xC620, s0;
	[sflag:s21] =	ssyncadd.s32 $0xFFFFF000  }
0x5f: {  	[spmem:s2] =	stream.indirect.scatter.add.f32 [tilespmem:s26], [sflag:$0x5], $0x20, s31, s24, $0xb8;
	[tilespmem:$0x10D20] =	vst v63  }
0x60: {  	_ =	swait.ge [sflag:s28], $0x1000  }
0x61: {  	[sflag:s28] =	ssyncset.done $0x0  }
0x62: {  	s16 =	simm.s32 $0xC4A0;
	[sflag:s28] =	ssyncadd.s32 $0xFFFFF000  }
0x63: {  	[tilespmem:s26], [sflag:$0x2] =	stream.indirect.gather [spmem:s3], $0x20, s16, s24, $0xb8;
	[tilespmem:$0x10D20] =	vst v63  }
0x64: {  	_ =	swait.ge [sflag:s20], $0x1000  }
0x65: {  	[sflag:s20] =	ssyncset.done $0x0  }
0x66: {  	s29 =	simm.s32 $0xEBA0;
	[sflag:s20] =	ssyncadd.s32 $0xFFFFF000  }
0x67: {  	[spmem:s2] =	stream.indirect.scatter.add.f32 [tilespmem:s25], [sflag:$0x5], $0x20, s29, s24, $0xb8;
	[tilespmem:$0x10D20] =	vst v63  }
0x68: {  	_ =	swait.ge [sflag:s28], $0x1000  }
0x69: {  	[sflag:s28] =	ssyncset.done $0x0  }
0x6a: {  	[sflag:s28] =	ssyncadd.s32 $0xFFFFF000  }
0x6b: {  	_ =	swait.ge [sflag:s21], $0x1000  }
0x6c: {  	[sflag:s21] =	ssyncset.done $0x0  }
0x6d: {  	s30 =	simm.s32 $0xEC20;
	[sflag:s21] =	ssyncadd.s32 $0xFFFFF000  }
0x6e: {  	[spmem:s2] =	stream.indirect.scatter.add.f32 [tilespmem:s26], [sflag:$0x5], $0x20, s30, s24, $0xb8;
	[tilespmem:$0x10D20] =	vst v63  }
0x6f: {  	_ =	swait.ge [sflag:s28], $0x1000  }
0x70: {  	s0 =	simm.s32 @!p0 $0x80;
	[sflag:s28] =	ssyncset.done $0x0  }
0x71: {  	s16 =	simm.s32 @!p0 $0xC520;
	s29 =	simm.s32 @!p0 $0xED20;
	[sflag:s28] =	ssyncadd.s32 $0xFFFFF000  }
0x72: {  	[tilespmem:s29], [sflag:$0x5] =	stream.indirect.gather @!p0 [spmem:s3], $0x20, s16, s0, $0xb8;
	[tilespmem:$0x10D20] =	vst v63  }
0x73: {  	s16 =	simm.s32 @!p0 $0x5  }
0x74: {  	_ =	swait.ge @!p0 [sflag:s16], $0x1000  }
0x75: {  	[sflag:s16] =	ssyncset.done @!p0 $0x0  }
0x76: {  	s30 =	simm.s32 @!p0 $0xECA0;
	[sflag:s16] =	ssyncadd.s32 @!p0 $0xFFFFF000  }
0x77: {  	[spmem:s2] =	stream.indirect.scatter.add.f32 @!p0 [tilespmem:s29], [sflag:$0x5], $0x20, s30, s0, $0xb8;
	[tilespmem:$0x10D20] =	vst v63  }
0x78: {  	_ =	swait.ge @!p0 [sflag:s16], $0x1000  }
0x79: {  	s1 =	sadd.s32 $0x1, s1;
	[sflag:s16] =	ssyncset.done @!p0 $0x0  }
0x7a: {  	p1 =	sne.s32 s1, s14;
	[sflag:s16] =	ssyncadd.s32 @!p0 $0xFFFFF000  }
.Ltmp1:
0x7b: {  	s31 =	sor.u32 $0x1C05, s8;
	[bflag:$0x0] =	sbarrier.arrive $0xFFFF;
	(pc) =	sbr.rel @p1 .LBB2_1-.Ltmp1, $4  }
0x7c: {  	[hbm:s13], [sflag:s31] =	dma.local [spmem:s17], $0xA00  }
0x7d: {  	_ =	swait.ge [sflag:s28], $0xA00  }
0x7e: {  	[sflag:s28] =	ssyncset.done $0x0  }
0x7f: {  	[sflag:s28] =	ssyncadd.s32 $0xFFFFF600  }
0x80: {  	_ =	sfence.sel $0x180000  }
0x81: {  	[bflag:$0x0] =	sbarrier.arrive $0xFFFF  }
0x82: {  	_ =	strace $0x9000004D  }
0x83: {  	s0 =	stileid.u32;
	[bflag:$0x2] =	sbarrier.arrive $0xFFFF  }
0x84: {  	p0 =	sne.s32 s0, $0x0;
	s0 =	rddreg [dreg:$0x4]  }
0x85: {  	s0 =	sadd.s32 @!p0 $0x100000, s0  }
0x86: {  	[sflag:s0] =	ssyncadd.tile.s32 @!p0 $0x1;
	_ =	shalt  }
.Lfunc_end2:
_tile_overlayer_lowered:
.L_overlay_start_2:
0x87: {  	(tag) =	ssettag $0x2  }
0x88: {  	s0 =	rddreg [dreg:$0x0];
	s2 =	stileid.u32  }
0x89: {  	s1 =	rddreg [dreg:$0x1];
	p0 =	sne.s32 s2, $0x0  }
0x8a: {  	s3 =	rddreg [dreg:$0x2];
	[bflag:$0x3] =	sbarrier.arrive $0xFFFF;
	s2 =	simm.s32 @!p0 $0x1C05  }
0x8b: {  	[timem:s3], [sflag:s2] =	dma.local @!p0 [hbm:s0], s1  }
0x8c: {  	s0 =	simm.s32 @!p0 $0x5  }
0x8d: {  	_ =	swait.ge @!p0 [sflag:s0], s1  }
0x8e: {  	s1 =	ssub.s32 @!p0 $0x0, s1;
	[sflag:s0] =	ssyncset.done @!p0 $0x0  }
0x8f: {  	[sflag:s0] =	ssyncadd.s32 @!p0 s1  }
0x90: {  	[bflag:$0x3] =	sbarrier.arrive $0xFFFF  }
0x91: {  	_ =	shalt  }

// kernel: kernel.9.cloned.1.call-start
scs
__scs_entry_jumppad:
0x0: {  	(pc) =	sbr.rel $0x88, $3  }
0x1: {  	(tag) =	ssettag $0x0;
	lr =	simm.s32 $0x1  }
0x2: {  	[smem:$0x3F93] =	sst lr;
	_ =	strace $0xD0000000  }
0x3: {  	_ = 	snop  }
0x4: {  	_ = 	snop  }
0x5: {  	_ = 	snop  }
0x6: {  	_ = 	snop  }
0x7: {  	_ = 	snop  }
__scs_overlays_trampoline_lowered:
0x8: {  	[smem:$0x3FA2] =	sst s0  }
0x9: {  	[smem:$0x3FA3] =	sst s1  }
0xa: {  	[smem:$0x3FA4] =	sst s2  }
0xb: {  	[smem:$0x3FA5] =	sst s3  }
0xc: {  	[smem:$0x3FA6] =	sst s4  }
0xd: {  	[smem:$0x3FA7] =	sst s5  }
0xe: {  	[smem:$0x3FA8] =	sst s6  }
0xf: {  	[smem:$0x3FA9] =	sst s7  }
0x10: {  	[smem:$0x3FAA] =	sst s8  }
0x11: {  	[smem:$0x3FAB] =	sst s9;
	s0 =	simm.s32 @!p0 $0x0  }
0x12: {  	s1 =	sld [smem:$0x3F91];
	s0 =	simm.s32 @p0 $0x1  }
0x13: {  	[smem:$0x3FAC] =	sst s0;
	s0 =	simm.s32 @!p1 $0x0  }
0x14: {  	s2 =	sld [smem:$0x3F90];
	s0 =	simm.s32 @p1 $0x1  }
0x15: {  	[smem:$0x3FAD] =	sst s0;
	s0 =	simm.s32 @!p2 $0x0  }
0x16: {  	s3 =	sld [smem:$0x3FDB];
	s0 =	simm.s32 @p2 $0x1  }
0x17: {  	s4 =	simm.s32 $0x1BF5;
	[smem:$0x3FAF] =	sst s0  }
0x18: {  	s0 =	sld [smem:$0x3F92];
	_ =	swait.ge [sflag:s4], $0x0  }
0x19: {  	s7 =	sld [smem:$0x3F93]  }
0x1a: {  	s8 =	sadd.s32 $0xFFFFE003, lr  }
0x1b: {  	s9 =	sadd.s32 $0xFFFFFEF7, lr;
	s5 =	simm.s32 $0xFFFFFFFF;
	p2 =	slt.u32 s8, $0xFFFFF086  }
0x1c: {  	p1 =	slt.u32 s9, $0xF7A;
	s5 =	simm.s32 @!p2 $0x0  }
0x1d: {  	s5 =	simm.s32 @p1 $0x1;
	p0 =	seq.s32 s7, s2  }
0x1e: {  	s7 =	smul.u32 @!p0 $0xF7A, s2;
	p2 =	seq.s32 @!p0 s5, $0x0  }
0x1f: {  	s9 =	smul.u32 $0xF7A, s1;
	s8 =	simm.s32 @!p0 $0x1BF5;
	p2 =	por !p2, p0  }
0x20: {  	[sflag:s8] =	ssyncset.s32 @!p0 $0xFFFFF086;
	s6 =	sadd.s32 @!p0 s3, s7;
	s7 =	simm.s32 @!p0 $0x108  }
0x21: {  	s3 =	sadd.s32 s3, s9;
	s6 =	sadd.s32 @!p0 $0x88, s6;
	s7 =	simm.s32 @p2 $0x1082  }
0x22: {  	[simem:s7], [sflag:s8] =	dma.local @!p0 [hbm:s6], $0xF7A  }
0x23: {  	s9 =	sor.u32 $0xD0000000, s2;
	s6 =	simm.s32 $0x108;
	_ =	swait.ge @!p0 [sflag:s8], $0x0  }
0x24: {  	s3 =	sadd.s32 $0x88, s3;
	s6 =	simm.s32 @!p1 $0x1082;
	[sflag:s4] =	ssyncset.s32 $0xFFFFF086  }
0x25: {  	[simem:s6], [sflag:s4] =	dma.local [hbm:s3], $0xF7A  }
0x26: {  	[smem:$0x3F93] =	sst s1;
	(tag) =	ssettag s2;
	_ =	strace s9  }
0x27: {  	s1 =	sld [smem:$0x3FA3]  }
0x28: {  	s2 =	sld [smem:$0x3FA4]  }
0x29: {  	s4 =	sld [smem:$0x3FA6]  }
0x2a: {  	p0 =	seq.s32 s5, $0x0;
	s5 =	sld [smem:$0x3FA7]  }
0x2b: {  	s6 =	sld [smem:$0x3FA8]  }
0x2c: {  	s7 =	sld [smem:$0x3FA9]  }
0x2d: {  	s3 =	simm.s32 $0x108;
	s8 =	sld [smem:$0x3FAA]  }
0x2e: {  	s3 =	simm.s32 @!p0 $0x1082;
	s9 =	sld [smem:$0x3FAB]  }
0x2f: {  	lr =	sadd.s32 s0, s3;
	s0 =	sld [smem:$0x3FA2]  }
0x30: {  	s3 =	sld [smem:$0x3FA5]  }
0x31: {  	[smem:$0x3FAE] =	sst s10  }
0x32: {  	s10 =	sld [smem:$0x3FAC];
	_ =	sdelay $0x3  }
0x33: {  	p0 =	seq.s32 s10, $0x1;
	s10 =	sld [smem:$0x3FAE];
	_ =	sdelay $0x3  }
0x34: {  	[smem:$0x3FAE] =	sst s10  }
0x35: {  	s10 =	sld [smem:$0x3FAD];
	_ =	sdelay $0x3  }
0x36: {  	p1 =	seq.s32 s10, $0x1;
	s10 =	sld [smem:$0x3FAE];
	_ =	sdelay $0x3  }
0x37: {  	[smem:$0x3FAE] =	sst s10  }
0x38: {  	s10 =	sld [smem:$0x3FAF]  }
0x39: {  	_ = 	snop;
	(pc) =	sbr.ind lr, $3  }
0x3a: {  	_ = 	snop  }
0x3b: {  	_ = 	snop  }
0x3c: {  	p2 =	seq.s32 s10, $0x1;
	s10 =	sld [smem:$0x3FAE]  }
0x3d: {  	_ =	shalt  }
0x3e: {  	_ =	shalt  }
0x3f: {  	_ =	shalt  }
0x40: {  	_ =	shalt  }
0x41: {  	_ =	shalt  }
0x42: {  	_ =	shalt  }
0x43: {  	_ =	shalt  }
0x44: {  	_ =	shalt  }
0x45: {  	_ =	shalt  }
0x46: {  	_ =	shalt  }
0x47: {  	_ =	shalt  }
0x48: {  	_ =	shalt  }
0x49: {  	_ =	shalt  }
0x4a: {  	_ =	shalt  }
0x4b: {  	_ =	shalt  }
0x4c: {  	_ =	shalt  }
0x4d: {  	_ =	shalt  }
0x4e: {  	_ =	shalt  }
0x4f: {  	_ =	shalt  }
0x50: {  	_ =	shalt  }
0x51: {  	_ =	shalt  }
0x52: {  	_ =	shalt  }
0x53: {  	_ =	shalt  }
0x54: {  	_ =	shalt  }
0x55: {  	_ =	shalt  }
0x56: {  	_ =	shalt  }
0x57: {  	_ =	shalt  }
0x58: {  	_ =	shalt  }
0x59: {  	_ =	shalt  }
0x5a: {  	_ =	shalt  }
0x5b: {  	_ =	shalt  }
0x5c: {  	_ =	shalt  }
0x5d: {  	_ =	shalt  }
0x5e: {  	_ =	shalt  }
0x5f: {  	_ =	shalt  }
0x60: {  	_ =	shalt  }
0x61: {  	_ =	shalt  }
0x62: {  	_ =	shalt  }
0x63: {  	_ =	shalt  }
0x64: {  	_ =	shalt  }
0x65: {  	_ =	shalt  }
0x66: {  	_ =	shalt  }
0x67: {  	_ =	shalt  }
0x68: {  	_ =	shalt  }
0x69: {  	_ =	shalt  }
0x6a: {  	_ =	shalt  }
0x6b: {  	_ =	shalt  }
0x6c: {  	_ =	shalt  }
0x6d: {  	_ =	shalt  }
0x6e: {  	_ =	shalt  }
0x6f: {  	_ =	shalt  }
0x70: {  	_ =	shalt  }
0x71: {  	_ =	shalt  }
0x72: {  	_ =	shalt  }
0x73: {  	_ =	shalt  }
0x74: {  	_ =	shalt  }
0x75: {  	_ =	shalt  }
0x76: {  	_ =	shalt  }
0x77: {  	_ =	shalt  }
0x78: {  	_ =	shalt  }
0x79: {  	_ =	shalt  }
0x7a: {  	_ =	shalt  }
0x7b: {  	_ =	shalt  }
0x7c: {  	_ =	shalt  }
0x7d: {  	_ =	shalt  }
0x7e: {  	_ =	shalt  }
0x7f: {  	_ =	shalt  }
0x80: {  	_ =	shalt  }
0x81: {  	_ =	shalt  }
0x82: {  	_ =	shalt  }
0x83: {  	_ =	shalt  }
0x84: {  	_ =	shalt  }
0x85: {  	_ =	shalt  }
0x86: {  	_ =	shalt  }
0x87: {  	_ =	shalt  }
.Lfunc_end0:
.L_simem_size_0:
called_computation_lowered:
.L_overlay_start_0:
0x88: {  	s2 =	sld [smem:$0x3FD9]  }
0x89: {  	s3 =	sld [smem:$0x3FFE];
	_ =	sdelay $0x1  }
0x8a: {  	s1 =	srdreg.scid  }
0x8b: {  	s0 =	sand.u32 $0x1, s1  }
0x8c: {  	s17 =	sshll.u32 s0, $0xA;
	s2 =	sadd.s32 s3, s2  }
0x8d: {  	s2 =	sadd.s32 s2, s17  }
0x8e: {  	[smem:$0x3FBA] =	sst s2  }
0x8f: {  	_ = 	snop  }
0x90: {  	s2 =	sld [smem:$0x3FD0];
	(tm) =	ssettm $0x1  }
0x91: {  	s18 =	sld [smem:$0x3FFB];
	_ =	sdelay $0x3  }
0x92: {  	_ =	strace s18  }
0x93: {  	s3 =	sld [smem:$0x3FFC];
	_ =	sdelay $0x3  }
0x94: {  	_ =	strace s3  }
0x95: {  	s3 =	sld [smem:$0x3FFD];
	_ =	sdelay $0x3  }
0x96: {  	_ =	strace s3  }
0x97: {  	_ =	strace $0x8FFFFFFF  }
0x98: {  	s19 =	sld [smem:$0x3FDB];
	_ =	sdelay $0x1  }
0x99: {  	s4 =	simm.s32 $_scs_section_size  }
0x9a: {  	s5 =	simm.s32 $_size__tile_overlayer_lowered;
	s6 =	simm.s32 $_tile_overlayer_lowered  }
0x9b: {  	s22 =	simm.s32 $0x1BFF;
	s21 =	sshll.u32 s6, $0x1;
	s3 =	sadd.s32 s4, s19  }
0x9c: {  	s7 =	simm.s32 $0x0;
	s20 =	sshll.u32 s5, $0x1;
	s5 =	sadd.s32 s21, s3  }
0x9d: {  	[timem:s7], [sflag:s22] =	dma.local [hbm:s5], s20  }
0x9e: {  	_ =	swait.ge [sflag:s22], s20  }
0x9f: {  	s4 =	ssub.s32 $0x0, s20;
	[sflag:s22] =	ssyncset.done $0x0  }
0xa0: {  	[sflag:s22] =	ssyncadd.s32 s4;
	_ =	sdelay $0x1  }
0xa1: {  	s23 =	simm.s32 $0x1B8B  }
0xa2: {  	_ =	swait.ge [sflag:s23], $0x1  }
0xa3: {  	[sflag:s23] =	ssyncset.done $0x0  }
0xa4: {  	s25 =	simm.s32 $0x1B8E;
	s24 =	sld [smem:$0x3FFE];
	[sflag:s23] =	ssyncadd.s32 $0xFFFFFFFF  }
0xa5: {  	s26 =	simm.s32 $execute0_lowered;
	[smem:$0x3FD2] =	sst s25  }
0xa6: {  	s5 =	sshll.u32 s26, $0x1;
	_ =	strace $0x80000046;
	[dreg:$0x1] =	wrdreg $0xFFFFFFFF  }
0xa7: {  	s28 =	simm.s32 $_size_execute0_lowered;
	s3 =	sadd.s32 s3, s5;
	[dreg:$0x0] =	wrdreg $0x0  }
0xa8: {  	s5 =	sshll.u32 s28, $0x1;
	[dreg:$0x2] =	wrdreg s3  }
0xa9: {  	[dreg:$0x3] =	wrdreg s5  }
0xaa: {  	[dreg:$0x4] =	wrdreg $0xC0  }
0xab: {  	_ =	task [dreg:s7], $0x5FFFF  }
0xac: {  	[dreg:$0x1] =	wrdreg $0xFFFFFFFF  }
0xad: {  	[dreg:$0x0] =	wrdreg $0x60  }
0xae: {  	[dreg:$0x2] =	wrdreg s24  }
0xaf: {  	[dreg:$0x3] =	wrdreg s2  }
0xb0: {  	[dreg:$0x4] =	wrdreg $0x0  }
0xb1: {  	[dreg:$0x5] =	wrdreg $0x9  }
0xb2: {  	_ =	task.clear_ibuf [dreg:s7], $0x6FFFF;
	_ =	strace $0x90000046  }
0xb3: {  	s29 =	simm.s32 $0x9;
	_ =	strace $0x80000048  }
0xb4: {  	_ =	swait.ge [sflag:s29], $0x1  }
0xb5: {  	[sflag:s29] =	ssyncadd.s32 $0xFFFFFFFF  }
0xb6: {  	_ =	strace $0x90000048  }
0xb7: {  	_ =	sfence  }
0xb8: {  	s30 =	sld [smem:$0x0];
	_ =	sdelay $0x2  }
0xb9: {  	s31 =	sshll.u32 s1, $0xD;
	s1 =	sshrl.u32 s1, $0x2  }
0xba: {  	s3 =	sand.u32 $0x4000, s31;
	s1 =	sadd.s32 s1, s30  }
0xbb: {  	s0 =	sor.u32 s3, s0;
	s1 =	sshll.u32 s1, $0x11  }
0xbc: {  	s0 =	sor.u32 s1, s0  }
0xbd: {  	s0 =	sadd.s32 $0x8F2B, s0  }
0xbe: {  	[sflag:s0] =	ssyncadd.remote.s32 $0x1  }
0xbf: {  	_ =	sfence.sel $0xFFFF  }
0xc0: {  	[dreg:$0x0] =	wrdreg $0xFFFFFFFF;
	(pc) =	sbr.abs _section_cstart, $3  }
0xc1: {  	[dreg:$0x1] =	wrdreg $0xFFFFFFFF  }
0xc2: {  	_ =	task.clear_ibuf [dreg:s7], $0x2FFFF;
	_ =	strace $0x9FFFFFFF  }
0xc3: {  	(tm) =	ssettm $0x7FFFFFFF  }
tec
execute0_lowered:
.L_overlay_start_1:
0x0: {  	(tag) =	ssettag $0x1  }
0x1: {  	s5 =	rddreg [dreg:$0x0]  }
0x2: {  	s0 =	srdreg.scid;
	s8 =	rddreg [dreg:$0x1]  }
0x3: {  	s2 =	rddreg [dreg:$0x2];
	s1 =	stileid.u32;
	s3 =	simm.s32 $0x0  }
0x4: {  	s15 =	simm.s32 $0x80;
	s4 =	sand.u32 $0x1, s0;
	s0 =	rddreg [dreg:$0x3]  }
0x5: {  	s16 =	simm.s32 $0x0;
	[smem:$0x7FF] =	sst s3;
	s9 =	smul.u32 $0x1400, s1  }
0x6: {  	s11 =	sadd.s32 $0xC800, s5;
	s29 =	sshll.u32 s1, $0x4;
	s31 =	sshll.u32 s1, $0x6  }
0x7: {  	s6 =	sshll.u32 s4, $0x4;
	_ =	strace $0x80000047;
	s7 =	ssub.s32 $0x2, s4  }
0x8: {  	s13 =	smul.u32 $0x14000, s4;
	s4 =	sadd.s32 $0x16600, s5;
	s5 =	sadd.s32 $0x16800, s5  }
0x9: {  	s10 =	sor.u32 s1, s6;
	s12 =	sshrl.u32 s7, $0x1;
	s14 =	sadd.s32 s9, s2  }
0xa: {  	s6 =	smul.u32 $0x4E0, s10;
	s12 =	ssub.s32 s7, s12;
	s13 =	sadd.s32 s9, s13  }
0xb: {  	s7 =	sadd.s32 s29, s11;
	p0 =	sgt.u32 s10, $0x3;
	s10 =	simm.s32 $0x1400  }
0xc: {  	s14 =	sshrl.u32 s14, $0x3;
	s30 =	sshrl.u32 s13, $0x3;
	s7 =	sadd.s32 $0x9C00, s7  }
0xd: {  	s9 =	smax.u32 s12, $0x1;
	s12 =	simm.s32 $0x3B80;
	s13 =	sor.u32 $0x1C01, s31  }
0xe: {  	s6 =	sadd.s32 s11, s6;
	s8 =	sadd.s32 s8, s30;
	s11 =	simm.s32 $0x1  }
.LBB2_1:
0xf: {  	[tilespmem:s10], [sflag:$0x1] =	stream.linear.gather [hbm4b:s6+s3], $0x2700, $0x38;
	[tilespmem:$0x3F80] =	vst v63  }
0x10: {  	_ =	swait.ge [sflag:s11], $0x2700  }
0x11: {  	[sflag:s11] =	ssyncset.done $0x0  }
0x12: {  	[sflag:s11] =	ssyncadd.s32 $0xFFFFD900  }
0x13: {  	[tilespmem:s12], [sflag:$0x1] =	stream.linear.gather [hbm4b:s4+s3], $0x400, $0x38;
	[tilespmem:$0x3F80] =	vst v63  }
0x14: {  	_ =	swait.ge [sflag:s11], $0x400  }
0x15: {  	[sflag:s11] =	ssyncset.done $0x0  }
0x16: {  	[sflag:s11] =	ssyncadd.s32 $0xFFFFFC00  }
0x17: {  	[spmem:s14], [sflag:s13] =	dma.local [hbm:s5], $0x280  }
0x18: {  	_ =	swait.ge [sflag:s11], $0x280  }
0x19: {  	[sflag:s11] =	ssyncset.done $0x0  }
0x1a: {  	s17 =	simm.s32 @!p0 $0x0;
	s18 =	simm.s32 @!p0 $0x3B00;
	[sflag:s11] =	ssyncadd.s32 $0xFFFFFD80  }
0x1b: {  	[tilespmem:s18], [sflag:$0x1] =	stream.linear.gather @!p0 [hbm4b:s7+s17], $0x80, $0x38;
	[tilespmem:$0x3F80] =	vst v63  }
0x1c: {  	s17 =	simm.s32 @!p0 $0x1  }
0x1d: {  	_ =	swait.ge @!p0 [sflag:s17], $0x80  }
0x1e: {  	[sflag:s17] =	ssyncset.done @!p0 $0x0  }
0x1f: {  	[sflag:s17] =	ssyncadd.s32 @!p0 $0xFFFFFF80  }
0x20: {  	s31 =	simm.s32 $0x1400;
	[bflag:$0x0] =	sbarrier.arrive $0xFFFF  }
0x21: {  	[spmem:s2] =	stream.indirect.scatter.add.f32 [tilespmem:s12], [sflag:$0x1], $0x8, s31, s15, $0xb8;
	[tilespmem:$0x3F80] =	vst v63  }
0x22: {  	s17 =	simm.s32 $0x200;
	_ =	swait.ge [sflag:s11], $0x400  }
.LBB2_2:
0x23: {  	s18 =	sshra.s32 s17, $0x2;
	[sflag:s11] =	ssyncset.done $0x0;
	p1 =	sne.s32 s17, $0x9A00  }
.Ltmp0:
0x24: {  	s18 =	sadd.s32 $0x1400, s18;
	[sflag:s11] =	ssyncadd.s32 $0xFFFFFC00;
	(pc) =	sbr.rel @p1 .LBB2_2-.Ltmp0, $3  }
0x25: {  	[spmem:s2] =	stream.indirect.scatter.add.f32 [tilespmem:s12], [sflag:$0x1], $0x8, s18, s15, $0xb8;
	[tilespmem:$0x3F80] =	vst v63  }
0x26: {  	s17 =	sadd.s32 $0x200, s17;
	_ =	sdelay $0x1  }
0x27: {  	_ =	swait.ge [sflag:s11], $0x400  }
0x28: {  	[sflag:s11] =	ssyncset.done $0x0;
	s17 =	simm.s32 @!p0 $0x80  }
0x29: {  	s18 =	simm.s32 @!p0 $0x3B00;
	s19 =	simm.s32 @!p0 $0x3B80;
	[sflag:s11] =	ssyncadd.s32 $0xFFFFFC00  }
0x2a: {  	[spmem:s2] =	stream.indirect.scatter.add.f32 @!p0 [tilespmem:s19], [sflag:$0x1], $0x8, s18, s17, $0xb8;
	[tilespmem:$0x3F80] =	vst v63  }
0x2b: {  	s17 =	simm.s32 @!p0 $0x1  }
0x2c: {  	_ =	swait.ge @!p0 [sflag:s17], $0x400  }
0x2d: {  	s16 =	sadd.s32 $0x1, s16;
	[sflag:s17] =	ssyncset.done @!p0 $0x0  }
0x2e: {  	p1 =	sne.s32 s16, s9;
	[sflag:s17] =	ssyncadd.s32 @!p0 $0xFFFFFC00  }
.Ltmp1:
0x2f: {  	[bflag:$0x0] =	sbarrier.arrive $0xFFFF;
	(pc) =	sbr.rel @p1 .LBB2_1-.Ltmp1, $4  }
0x30: {  	[hbm:s8], [sflag:s13] =	dma.local [spmem:s14], $0x280  }
0x31: {  	_ =	swait.ge [sflag:s11], $0x280  }
0x32: {  	[sflag:s11] =	ssyncset.done $0x0  }
0x33: {  	[sflag:s11] =	ssyncadd.s32 $0xFFFFFD80  }
0x34: {  	_ =	sfence.sel $0x180000  }
0x35: {  	[bflag:$0x0] =	sbarrier.arrive $0xFFFF  }
0x36: {  	p0 =	sne.s32 s1, $0x0;
	_ =	strace $0x90000047  }
0x37: {  	s0 =	sadd.s32 @!p0 $0x100000, s0;
	[bflag:$0x2] =	sbarrier.arrive $0xFFFF  }
0x38: {  	[sflag:s0] =	ssyncadd.tile.s32 @!p0 $0x1;
	_ =	shalt  }
.Lfunc_end2:
_tile_overlayer_lowered:
.L_overlay_start_2:
0x39: {  	(tag) =	ssettag $0x2  }
0x3a: {  	s0 =	rddreg [dreg:$0x0];
	s2 =	stileid.u32  }
0x3b: {  	s1 =	rddreg [dreg:$0x1];
	p0 =	sne.s32 s2, $0x0  }
0x3c: {  	s3 =	rddreg [dreg:$0x2];
	[bflag:$0x3] =	sbarrier.arrive $0xFFFF;
	s2 =	simm.s32 @!p0 $0x1C01  }
0x3d: {  	[timem:s3], [sflag:s2] =	dma.local @!p0 [hbm:s0], s1  }
0x3e: {  	s0 =	simm.s32 @!p0 $0x1  }
0x3f: {  	_ =	swait.ge @!p0 [sflag:s0], s1  }
0x40: {  	s1 =	ssub.s32 @!p0 $0x0, s1;
	[sflag:s0] =	ssyncset.done @!p0 $0x0  }
0x41: {  	[sflag:s0] =	ssyncadd.s32 @!p0 s1  }
0x42: {  	[bflag:$0x3] =	sbarrier.arrive $0xFFFF  }
0x43: {  	_ =	shalt  }

</sc_bundles>
